<compile_context>
chip_gen: v7x
topology: tpu7x:2x2x1
jax: 0.10.2.dev20260603
libtpu: 0.0.44.dev20260713+nightly
codegen_flags: <defaults>
</compile_context>

<pallas_src>
import functools

import jax
import jax.numpy as jnp
from jax import lax
from jax.experimental import pallas as pl
from jax.experimental.pallas import tpu as pltpu
from jax.experimental.pallas import tpu_sc as plsc

N = 100000
D = 512
G = 1000


_BLK = 1000

def _dense_body(x_ref, w1_ref, w2_ref, o_ref):
    x = x_ref[...]
    a = jnp.dot(x, w1_ref[...], preferred_element_type=jnp.float32)
    b = jnp.dot(x, w2_ref[...], preferred_element_type=jnp.float32)
    z = jnp.where(a > 0, a, jnp.exp(a) - 1.0)
    o_ref[...] = z * b


def _dense(x, w1t, w2t):
    nrows = x.shape[0]
    grid = (nrows // _BLK,)
    return pl.pallas_call(
        _dense_body,
        grid=grid,
        in_specs=[
            pl.BlockSpec((_BLK, D), lambda i: (i, 0)),
            pl.BlockSpec((D, D), lambda i: (0, 0)),
            pl.BlockSpec((D, D), lambda i: (0, 0)),
        ],
        out_specs=pl.BlockSpec((_BLK, D), lambda i: (i, 0)),
        out_shape=jax.ShapeDtypeStruct((nrows, D), jnp.float32),
    )(x, w1t, w2t)



_NC = 2
_NS = 16
_K = 80
_GP = 1024
_CS = 4
_RG = _NC * _NS // _CS
_DS = D // _CS
_ZR = _CS * _GP // _NS

_NSPLIT = 1
_NBUF = 4


def _seg_body(nchunks, gated_hbm, idx_hbm, zeros_hbm, out_hbm,
              idx_v, rows_v, acc_sh, sem_i, sem_r, sem_s):
    jmain = (nchunks // _RG // _NBUF) * _NBUF
    nmain = jmain * _RG

    c = lax.axis_index("c")
    s = lax.axis_index("s")
    ci = s % _CS
    ri = c * (_NS // _CS) + s // _CS

    pltpu.sync_copy(zeros_hbm, acc_sh.at[pl.ds(s * _ZR, _ZR)])
    plsc.subcore_barrier()

    def start_loads(j, b):
        base = (ri + j * _RG) * _K
        pltpu.async_copy(idx_hbm.at[pl.ds(base, _K)], idx_v.at[b], sem_i.at[b])
        pltpu.async_copy(gated_hbm.at[pl.ds(base, _K), pl.ds(ci * _DS, _DS)],
                         rows_v.at[b], sem_r.at[b])

    def wait_loads(b):
        pltpu.make_async_copy(idx_hbm.at[pl.ds(0, _K)], idx_v.at[b],
                              sem_i.at[b]).wait()
        pltpu.make_async_copy(gated_hbm.at[pl.ds(0, _K), pl.ds(0, _DS)],
                              rows_v.at[b], sem_r.at[b]).wait()

    def start_scatter(b):
        for i in range(_K // 16):
            idx_v[b, pl.ds(i * 16, 16)] = idx_v[b, pl.ds(i * 16, 16)] + ci * _GP
        pltpu.async_copy(rows_v.at[b], acc_sh.at[idx_v.at[b]], sem_s.at[b],
                         add=True)

    def wait_scatter(b):
        pltpu.make_async_copy(rows_v.at[b], acc_sh.at[idx_v.at[b]],
                              sem_s.at[b]).wait()

    start_loads(0, 0)
    start_loads(1, 1)

    @pl.loop(0, jmain, step=_NBUF)
    def _pipe(jj):
        for b in range(_NBUF):
            j = jj + b
            b2 = (b + 2) % _NBUF

            @pl.when(j + 2 < jmain)
            def _():
                @pl.when(j - 2 >= 0)
                def _():
                    wait_scatter(b2)
                start_loads(j + 2, b2)

            wait_loads(b)
            start_scatter(b)

    if jmain >= _NBUF:
        for b in range(_NBUF):
            wait_scatter(b)

    for t in range((nchunks - nmain + _RG - 1) // _RG):
        chunk = nmain + t * _RG + ri

        @pl.when(chunk < nchunks)
        def _():
            base = chunk * _K
            pltpu.sync_copy(idx_hbm.at[pl.ds(base, _K)], idx_v.at[0])
            pltpu.sync_copy(gated_hbm.at[pl.ds(base, _K), pl.ds(ci * _DS, _DS)],
                            rows_v.at[0])
            start_scatter(0)
            wait_scatter(0)

    plsc.subcore_barrier()

    pltpu.sync_copy(
        acc_sh.at[pl.ds(s * _ZR, _ZR)],
        out_hbm.at[c, pl.ds((s % 4) * _ZR, _ZR), pl.ds((s // 4) * _DS, _DS)])


@functools.cache
def _make_seg_kernel(nchunks):
    return pl.kernel(
        functools.partial(_seg_body, nchunks),
        out_type=jax.ShapeDtypeStruct((_NC, _GP, D), jnp.float32),
        mesh=plsc.VectorSubcoreMesh(core_axis_name="c", subcore_axis_name="s",
                                    num_cores=_NC, num_subcores=_NS),
        scratch_types=[
            pltpu.VMEM((_NBUF, _K), jnp.int32),
            pltpu.VMEM((_NBUF, _K, _DS), jnp.float32),
            pltpu.VMEM_SHARED((_CS * _GP, _DS), jnp.float32),
            pltpu.SemaphoreType.DMA((_NBUF,)),
            pltpu.SemaphoreType.DMA((_NBUF,)),
            pltpu.SemaphoreType.DMA((_NBUF,)),
        ],
    )


def kernel(input, graph_indices, node_counts, W1, W2):
    del node_counts
    w1t, w2t = W1.T, W2.T
    idx = graph_indices.astype(jnp.int32)
    zeros = jnp.zeros((_ZR, _DS), jnp.float32)

    bounds = [N * i // _NSPLIT for i in range(_NSPLIT + 1)]
    bounds = [(b // 2000) * 2000 for b in bounds[:-1]] + [N]
    acc = None
    for lo, hi in zip(bounds[:-1], bounds[1:]):
        gated = _dense(input[lo:hi], w1t, w2t)
        partials = _make_seg_kernel((hi - lo) // _K)(
            gated, lax.dynamic_slice_in_dim(idx, lo, hi - lo), zeros)
        p = partials[0] + partials[1]
        acc = p if acc is None else acc + p
    return acc[:G]

# --- scband reference (transcript-rebuilt; emitter-appended) ---
"""Pipeline reference for scband-gated-pooling-80547816669789 (READ-ONLY COPY).

The authoritative reference and input builder live on the scoring server;
editing this copy changes nothing except your own understanding.
"""

import jax, jax.numpy as jnp
import numpy as np

N = 100000
D = 512
G = 1000

def setup_inputs(seed: int = 0) -> dict:
    key = jax.random.key(seed)
    k1, k2, k3, k4 = jax.random.split(key, 4)
    x = jax.random.normal(k1, (N, D), dtype=jnp.float32)
    graph_indices = jnp.sort(jax.random.randint(k2, (N,), 0, G))
    node_counts = jnp.ones((G,), dtype=jnp.float32)
    # Linear weights (bias=False in module): torch Linear stores W[out, in], y = x @ W.T
    scale = 1.0 / np.sqrt(D)
    W1 = jax.random.normal(k3, (D, D), dtype=jnp.float32) * scale
    W2 = jax.random.normal(k4, (D, D), dtype=jnp.float32) * scale
    return {"input": x, "graph_indices": graph_indices, "node_counts": node_counts, "W1": W1, "W2": W2}

def reference(input, graph_indices, node_counts, W1, W2):
    # z = ELU(linear1(input))
    z = jax.nn.elu(input @ W1.T)
    # gated = z * linear2(input)
    gated = z * (input @ W2.T)
    # blank.index_add_(0, graph_indices, gated); note: the division by node_counts in the
    # original torch code is computed but its result is discarded (not assigned), so the
    # faithful output is the unnormalized per-graph sum.
    graphcount = node_counts.shape[0]
    blank = jax.ops.segment_sum(gated, graph_indices, num_segments=graphcount)
    return blank

if __name__ == "__main__":
    import jax
    _d = setup_inputs()
    print(jax.jit(kernel)(*tuple(_d.values())))

</pallas_src>

<mosaic_0001>
#map = affine_map<(d0, d1) -> (0, 0)>
#map1 = affine_map<(d0, d1) -> (0)>
#map2 = affine_map<(d0, d1) -> (0, 0, 0)>
module attributes {stable_mosaic.version = 14 : i64} {
  func.func @_seg_body(%arg0: i32, %arg1: i32, %arg2: memref<100000x512xf32, #tpu.memory_space<hbm>>, %arg3: memref<100000xi32, #tpu.memory_space<hbm>>, %arg4: memref<256x128xf32, #tpu.memory_space<hbm>>, %arg5: memref<2x1024x512xf32, #tpu.memory_space<hbm>>, %arg6: memref<4x80xi32, #tpu.memory_space<vmem>>, %arg7: memref<4x80x128xf32, #tpu.memory_space<vmem>>, %arg8: memref<4096x128xf32, #tpu.memory_space<vmem_shared>>, %arg9: memref<4x!tpu.dma_semaphore, #tpu.memory_space<semaphore_mem>>, %arg10: memref<4x!tpu.dma_semaphore, #tpu.memory_space<semaphore_mem>>, %arg11: memref<4x!tpu.dma_semaphore, #tpu.memory_space<semaphore_mem>>) attributes {dimension_semantics = [#tpu.dimension_semantics<core_parallel>, #tpu.dimension_semantics<subcore_parallel>], iteration_bounds = array<i64: 2, 16>, scalar_prefetch = 0 : i64, scratch_operands = 6 : i64, tpu.core_type = #tpu.core_type<sc_vector_subcore>, window_params = [{transform_indices = #map}, {transform_indices = #map1}, {transform_indices = #map}, {transform_indices = #map2}]} {
    %jit3A = arith.constant 4 : i32
    %eq3A = arith.constant 0 : i32
    %eq3A_0 = arith.cmpi eq, %jit3A, %eq3A : i32
    %jit3A_1 = arith.constant 1 : i32
    %select_n3A = arith.select %eq3A_0, %jit3A_1, %jit3A : i32
    %rem3A = arith.remsi %arg1, %select_n3A : i32
    %ne3A = arith.constant 0 : i32
    %ne3A_2 = arith.cmpi ne, %rem3A, %ne3A : i32
    %lt3A = arith.constant 0 : i32
    %lt3A_3 = arith.cmpi slt, %rem3A, %lt3A : i32
    %lt3A_4 = arith.constant 0 : i32
    %lt3A_5 = arith.cmpi slt, %select_n3A, %lt3A_4 : i32
    %ne3A_6 = arith.xori %lt3A_3, %lt3A_5 : i1
    %and3A = arith.andi %ne3A_6, %ne3A_2 : i1
    %add3A = arith.addi %rem3A, %select_n3A : i32
    %select_n3A_7 = arith.select %and3A, %add3A, %rem3A : i32
    %mul3A = arith.constant 4 : i32
    %mul3A_8 = arith.muli %arg0, %mul3A : i32
    %jit3A_9 = arith.constant 4 : i32
    %div3A = arith.divsi %arg1, %jit3A_9 : i32
    %sign3A = arith.constant 0 : i32
    %sign3A_10 = arith.cmpi sgt, %arg1, %sign3A : i32
    %sign3A_11 = arith.extui %sign3A_10 : i1 to i32
    %sign3A_12 = arith.constant 0 : i32
    %sign3A_13 = arith.cmpi slt, %arg1, %sign3A_12 : i32
    %sign3A_14 = arith.extui %sign3A_13 : i1 to i32
    %sign3A_15 = arith.subi %sign3A_11, %sign3A_14 : i32
    %sign3A_16 = arith.constant 0 : i32
    %sign3A_17 = arith.cmpi sgt, %jit3A_9, %sign3A_16 : i32
    %sign3A_18 = arith.extui %sign3A_17 : i1 to i32
    %sign3A_19 = arith.constant 0 : i32
    %sign3A_20 = arith.cmpi slt, %jit3A_9, %sign3A_19 : i32
    %sign3A_21 = arith.extui %sign3A_20 : i1 to i32
    %sign3A_22 = arith.subi %sign3A_18, %sign3A_21 : i32
    %ne3A_23 = arith.cmpi ne, %sign3A_15, %sign3A_22 : i32
    %rem3A_24 = arith.remsi %arg1, %jit3A_9 : i32
    %ne3A_25 = arith.constant 0 : i32
    %ne3A_26 = arith.cmpi ne, %rem3A_24, %ne3A_25 : i32
    %and3A_27 = arith.andi %ne3A_23, %ne3A_26 : i1
    %sub3A = arith.constant 1 : i32
    %sub3A_28 = arith.subi %div3A, %sub3A : i32
    %select_n3A_29 = arith.select %and3A_27, %sub3A_28, %div3A : i32
    %add3A_30 = arith.addi %mul3A_8, %select_n3A_29 : i32
    %mul3A_31 = arith.constant 256 : i32
    %mul3A_32 = arith.muli %arg1, %mul3A_31 : i32
    "tpu.region"() ({
      %run_scoped3A = tpu.sem_alloc : memref<!tpu.dma_semaphore, #tpu.memory_space<semaphore_mem>>
      %dma_start3A_211 = arith.constant 0 : i32
      %dma_start3A_212 = tpu.memref_slice %arg8[%mul3A_32, %dma_start3A_211] : memref<4096x128xf32, #tpu.memory_space<vmem_shared>> -> memref<256x128xf32, #tpu.memory_space<vmem_shared>>
      tpu.enqueue_dma source(%arg4 : memref<256x128xf32, #tpu.memory_space<hbm>>) target(%dma_start3A_212 : memref<256x128xf32, #tpu.memory_space<vmem_shared>>) target_semaphore(%run_scoped3A : memref<!tpu.dma_semaphore, #tpu.memory_space<semaphore_mem>>)
      %dma_wait3A_213 = arith.constant 0 : i32
      %dma_wait3A_214 = tpu.memref_slice %arg8[%mul3A_32, %dma_wait3A_213] : memref<4096x128xf32, #tpu.memory_space<vmem_shared>> -> memref<256x128xf32, #tpu.memory_space<vmem_shared>>
      tpu.wait_dma2 semaphore(%run_scoped3A : memref<!tpu.dma_semaphore, #tpu.memory_space<semaphore_mem>>) src(%arg4 : memref<256x128xf32, #tpu.memory_space<hbm>>) dst(%dma_wait3A_214 : memref<256x128xf32, #tpu.memory_space<vmem_shared>>)
      tpu.yield
    }) : () -> ()
    %barrier3A = arith.constant 0 : index
    tpu.barrier barrier_id(%barrier3A)
    %add3A_33 = arith.constant 0 : i32
    %add3A_34 = arith.addi %add3A_30, %add3A_33 : i32
    %mul3A_35 = arith.constant 80 : i32
    %mul3A_36 = arith.muli %add3A_34, %mul3A_35 : i32
    %dma_start3A = arith.constant 0 : i32
    %dma_start3A_37 = arith.constant 0 : i32
    %dma_start3A_38 = arith.constant 0 : i32
    %dma_start3A_39 = tpu.memref_slice %arg6[%dma_start3A, %dma_start3A_38] : memref<4x80xi32, #tpu.memory_space<vmem>> -> memref<1x80xi32, #tpu.memory_space<vmem>>
    %dma_start3A_40 = tpu.memref_squeeze %dma_start3A_39 : memref<1x80xi32, #tpu.memory_space<vmem>> -> memref<80xi32, #tpu.memory_space<vmem>>
    %dma_start3A_41 = tpu.memref_slice %arg3[%mul3A_36] : memref<100000xi32, #tpu.memory_space<hbm>> -> memref<80xi32, #tpu.memory_space<hbm>>
    %dma_start3A_42 = tpu.memref_slice %arg9[%dma_start3A_37] : memref<4x!tpu.dma_semaphore, #tpu.memory_space<semaphore_mem>> -> memref<1x!tpu.dma_semaphore, #tpu.memory_space<semaphore_mem>>
    %dma_start3A_43 = tpu.memref_squeeze %dma_start3A_42 : memref<1x!tpu.dma_semaphore, #tpu.memory_space<semaphore_mem>> -> memref<!tpu.dma_semaphore, #tpu.memory_space<semaphore_mem>>
    %dma_start3A_44 = arith.constant 0 : i32
    %dma_start3A_45 = tpu.memref_slice %arg6[%dma_start3A, %dma_start3A_44] : memref<4x80xi32, #tpu.memory_space<vmem>> -> memref<1x80xi32, #tpu.memory_space<vmem>>
    %dma_start3A_46 = tpu.memref_squeeze %dma_start3A_45 : memref<1x80xi32, #tpu.memory_space<vmem>> -> memref<80xi32, #tpu.memory_space<vmem>>
    %dma_start3A_47 = tpu.memref_slice %arg3[%mul3A_36] : memref<100000xi32, #tpu.memory_space<hbm>> -> memref<80xi32, #tpu.memory_space<hbm>>
    tpu.enqueue_dma source(%dma_start3A_47 : memref<80xi32, #tpu.memory_space<hbm>>) target(%dma_start3A_46 : memref<80xi32, #tpu.memory_space<vmem>>) target_semaphore(%dma_start3A_43 : memref<!tpu.dma_semaphore, #tpu.memory_space<semaphore_mem>>)
    %mul3A_48 = arith.constant 128 : i32
    %mul3A_49 = arith.muli %select_n3A_7, %mul3A_48 : i32
    %dma_start3A_50 = arith.constant 0 : i32
    %dma_start3A_51 = arith.constant 0 : i32
    %dma_start3A_52 = arith.constant 0 : i32
    %dma_start3A_53 = arith.constant 0 : i32
    %dma_start3A_54 = tpu.memref_slice %arg7[%dma_start3A_50, %dma_start3A_52, %dma_start3A_53] : memref<4x80x128xf32, #tpu.memory_space<vmem>> -> memref<1x80x128xf32, #tpu.memory_space<vmem>>
    %dma_start3A_55 = tpu.memref_squeeze %dma_start3A_54 : memref<1x80x128xf32, #tpu.memory_space<vmem>> -> memref<80x128xf32, #tpu.memory_space<vmem>>
    %dma_start3A_56 = tpu.memref_slice %arg2[%mul3A_36, %mul3A_49] : memref<100000x512xf32, #tpu.memory_space<hbm>> -> memref<80x128xf32, #tpu.memory_space<hbm>>
    %dma_start3A_57 = tpu.memref_slice %arg10[%dma_start3A_51] : memref<4x!tpu.dma_semaphore, #tpu.memory_space<semaphore_mem>> -> memref<1x!tpu.dma_semaphore, #tpu.memory_space<semaphore_mem>>
    %dma_start3A_58 = tpu.memref_squeeze %dma_start3A_57 : memref<1x!tpu.dma_semaphore, #tpu.memory_space<semaphore_mem>> -> memref<!tpu.dma_semaphore, #tpu.memory_space<semaphore_mem>>
    %dma_start3A_59 = arith.constant 0 : i32
    %dma_start3A_60 = arith.constant 0 : i32
    %dma_start3A_61 = tpu.memref_slice %arg7[%dma_start3A_50, %dma_start3A_59, %dma_start3A_60] : memref<4x80x128xf32, #tpu.memory_space<vmem>> -> memref<1x80x128xf32, #tpu.memory_space<vmem>>
    %dma_start3A_62 = tpu.memref_squeeze %dma_start3A_61 : memref<1x80x128xf32, #tpu.memory_space<vmem>> -> memref<80x128xf32, #tpu.memory_space<vmem>>
    %dma_start3A_63 = tpu.memref_slice %arg2[%mul3A_36, %mul3A_49] : memref<100000x512xf32, #tpu.memory_space<hbm>> -> memref<80x128xf32, #tpu.memory_space<hbm>>
    tpu.enqueue_dma source(%dma_start3A_63 : memref<80x128xf32, #tpu.memory_space<hbm>>) target(%dma_start3A_62 : memref<80x128xf32, #tpu.memory_space<vmem>>) target_semaphore(%dma_start3A_58 : memref<!tpu.dma_semaphore, #tpu.memory_space<semaphore_mem>>)
    %add3A_64 = arith.constant 8 : i32
    %add3A_65 = arith.addi %add3A_30, %add3A_64 : i32
    %mul3A_66 = arith.constant 80 : i32
    %mul3A_67 = arith.muli %add3A_65, %mul3A_66 : i32
    %dma_start3A_68 = arith.constant 1 : i32
    %dma_start3A_69 = arith.constant 1 : i32
    %dma_start3A_70 = arith.constant 0 : i32
    %dma_start3A_71 = tpu.memref_slice %arg6[%dma_start3A_68, %dma_start3A_70] : memref<4x80xi32, #tpu.memory_space<vmem>> -> memref<1x80xi32, #tpu.memory_space<vmem>>
    %dma_start3A_72 = tpu.memref_squeeze %dma_start3A_71 : memref<1x80xi32, #tpu.memory_space<vmem>> -> memref<80xi32, #tpu.memory_space<vmem>>
    %dma_start3A_73 = tpu.memref_slice %arg3[%mul3A_67] : memref<100000xi32, #tpu.memory_space<hbm>> -> memref<80xi32, #tpu.memory_space<hbm>>
    %dma_start3A_74 = tpu.memref_slice %arg9[%dma_start3A_69] : memref<4x!tpu.dma_semaphore, #tpu.memory_space<semaphore_mem>> -> memref<1x!tpu.dma_semaphore, #tpu.memory_space<semaphore_mem>>
    %dma_start3A_75 = tpu.memref_squeeze %dma_start3A_74 : memref<1x!tpu.dma_semaphore, #tpu.memory_space<semaphore_mem>> -> memref<!tpu.dma_semaphore, #tpu.memory_space<semaphore_mem>>
    %dma_start3A_76 = arith.constant 0 : i32
    %dma_start3A_77 = tpu.memref_slice %arg6[%dma_start3A_68, %dma_start3A_76] : memref<4x80xi32, #tpu.memory_space<vmem>> -> memref<1x80xi32, #tpu.memory_space<vmem>>
    %dma_start3A_78 = tpu.memref_squeeze %dma_start3A_77 : memref<1x80xi32, #tpu.memory_space<vmem>> -> memref<80xi32, #tpu.memory_space<vmem>>
    %dma_start3A_79 = tpu.memref_slice %arg3[%mul3A_67] : memref<100000xi32, #tpu.memory_space<hbm>> -> memref<80xi32, #tpu.memory_space<hbm>>
    tpu.enqueue_dma source(%dma_start3A_79 : memref<80xi32, #tpu.memory_space<hbm>>) target(%dma_start3A_78 : memref<80xi32, #tpu.memory_space<vmem>>) target_semaphore(%dma_start3A_75 : memref<!tpu.dma_semaphore, #tpu.memory_space<semaphore_mem>>)
    %mul3A_80 = arith.constant 128 : i32
    %mul3A_81 = arith.muli %select_n3A_7, %mul3A_80 : i32
    %dma_start3A_82 = arith.constant 1 : i32
    %dma_start3A_83 = arith.constant 1 : i32
    %dma_start3A_84 = arith.constant 0 : i32
    %dma_start3A_85 = arith.constant 0 : i32
    %dma_start3A_86 = tpu.memref_slice %arg7[%dma_start3A_82, %dma_start3A_84, %dma_start3A_85] : memref<4x80x128xf32, #tpu.memory_space<vmem>> -> memref<1x80x128xf32, #tpu.memory_space<vmem>>
    %dma_start3A_87 = tpu.memref_squeeze %dma_start3A_86 : memref<1x80x128xf32, #tpu.memory_space<vmem>> -> memref<80x128xf32, #tpu.memory_space<vmem>>
    %dma_start3A_88 = tpu.memref_slice %arg2[%mul3A_67, %mul3A_81] : memref<100000x512xf32, #tpu.memory_space<hbm>> -> memref<80x128xf32, #tpu.memory_space<hbm>>
    %dma_start3A_89 = tpu.memref_slice %arg10[%dma_start3A_83] : memref<4x!tpu.dma_semaphore, #tpu.memory_space<semaphore_mem>> -> memref<1x!tpu.dma_semaphore, #tpu.memory_space<semaphore_mem>>
    %dma_start3A_90 = tpu.memref_squeeze %dma_start3A_89 : memref<1x!tpu.dma_semaphore, #tpu.memory_space<semaphore_mem>> -> memref<!tpu.dma_semaphore, #tpu.memory_space<semaphore_mem>>
    %dma_start3A_91 = arith.constant 0 : i32
    %dma_start3A_92 = arith.constant 0 : i32
    %dma_start3A_93 = tpu.memref_slice %arg7[%dma_start3A_82, %dma_start3A_91, %dma_start3A_92] : memref<4x80x128xf32, #tpu.memory_space<vmem>> -> memref<1x80x128xf32, #tpu.memory_space<vmem>>
    %dma_start3A_94 = tpu.memref_squeeze %dma_start3A_93 : memref<1x80x128xf32, #tpu.memory_space<vmem>> -> memref<80x128xf32, #tpu.memory_space<vmem>>
    %dma_start3A_95 = tpu.memref_slice %arg2[%mul3A_67, %mul3A_81] : memref<100000x512xf32, #tpu.memory_space<hbm>> -> memref<80x128xf32, #tpu.memory_space<hbm>>
    tpu.enqueue_dma source(%dma_start3A_95 : memref<80x128xf32, #tpu.memory_space<hbm>>) target(%dma_start3A_94 : memref<80x128xf32, #tpu.memory_space<vmem>>) target_semaphore(%dma_start3A_90 : memref<!tpu.dma_semaphore, #tpu.memory_space<semaphore_mem>>)
    %scan3A = arith.constant 0 : i32
    %scan3A_96 = arith.constant 39 : i32
    %scan3A_97 = arith.addi %scan3A, %scan3A_96 : i32
    %scan3A_98 = arith.constant 1 : i32
    scf.for %scan3A_211 = %scan3A to %scan3A_97 step %scan3A_98  : i32 {
      %mul3A_212 = arith.constant 4 : i32
      %mul3A_213 = arith.muli %scan3A_211, %mul3A_212 : i32
      %add3A_214 = arith.constant 0 : i32
      %add3A_215 = arith.addi %add3A_214, %mul3A_213 : i32
      %add3A_216 = arith.constant 0 : i32
      %add3A_217 = arith.addi %add3A_215, %add3A_216 : i32
      %add3A_218 = arith.constant 2 : i32
      %add3A_219 = arith.addi %add3A_217, %add3A_218 : i32
      %lt3A_220 = arith.constant 156 : i32
      %lt3A_221 = arith.cmpi slt, %add3A_219, %lt3A_220 : i32
      %convert_element_type3A_222 = arith.extui %lt3A_221 : i1 to i32
      %cond3A_223 = arith.constant 0 : i32
      %cond3A_224 = arith.cmpi ne, %convert_element_type3A_222, %cond3A_223 : i32
      scf.if %cond3A_224 {
        %sub3A_738 = arith.constant 2 : i32
        %sub3A_739 = arith.subi %add3A_217, %sub3A_738 : i32
        %ge3A = arith.constant 0 : i32
        %ge3A_740 = arith.cmpi sge, %sub3A_739, %ge3A : i32
        %convert_element_type3A_741 = arith.extui %ge3A_740 : i1 to i32
        %cond3A_742 = arith.constant 0 : i32
        %cond3A_743 = arith.cmpi ne, %convert_element_type3A_741, %cond3A_742 : i32
        scf.if %cond3A_743 {
          %dma_wait3A_779 = arith.constant 2 : i32
          %dma_wait3A_780 = arith.constant 2 : i32
          %dma_wait3A_781 = arith.constant 2 : i32
          %dma_wait3A_782 = arith.constant 0 : i32
          %dma_wait3A_783 = arith.constant 0 : i32
          %dma_wait3A_784 = tpu.memref_slice %arg7[%dma_wait3A_779, %dma_wait3A_782, %dma_wait3A_783] : memref<4x80x128xf32, #tpu.memory_space<vmem>> -> memref<1x80x128xf32, #tpu.memory_space<vmem>>
          %dma_wait3A_785 = tpu.memref_squeeze %dma_wait3A_784 : memref<1x80x128xf32, #tpu.memory_space<vmem>> -> memref<80x128xf32, #tpu.memory_space<vmem>>
          %dma_wait3A_786 = arith.constant 0 : i32
          %dma_wait3A_787 = tpu.memref_slice %arg6[%dma_wait3A_780, %dma_wait3A_786] : memref<4x80xi32, #tpu.memory_space<vmem>> -> memref<1x80xi32, #tpu.memory_space<vmem>>
          %dma_wait3A_788 = tpu.memref_squeeze %dma_wait3A_787 : memref<1x80xi32, #tpu.memory_space<vmem>> -> memref<80xi32, #tpu.memory_space<vmem>>
          %dma_wait3A_789 = arith.constant 0 : i32
          %dma_wait3A_790 = arith.constant 0 : i32
          %dma_wait3A_791 = tpu.memref_slice %arg8[%dma_wait3A_789, %dma_wait3A_790] : memref<4096x128xf32, #tpu.memory_space<vmem_shared>> -> memref<4096x128xf32, #tpu.memory_space<vmem_shared>>
          %dma_wait3A_792 = tpu.memref_slice %arg11[%dma_wait3A_781] : memref<4x!tpu.dma_semaphore, #tpu.memory_space<semaphore_mem>> -> memref<1x!tpu.dma_semaphore, #tpu.memory_space<semaphore_mem>>
          %dma_wait3A_793 = tpu.memref_squeeze %dma_wait3A_792 : memref<1x!tpu.dma_semaphore, #tpu.memory_space<semaphore_mem>> -> memref<!tpu.dma_semaphore, #tpu.memory_space<semaphore_mem>>
          tpu.wait_indirect_dma semaphore(%dma_wait3A_793 : memref<!tpu.dma_semaphore, #tpu.memory_space<semaphore_mem>>) src(%dma_wait3A_785 : memref<80x128xf32, #tpu.memory_space<vmem>>) dst(%dma_wait3A_791 : memref<4096x128xf32, #tpu.memory_space<vmem_shared>>)
        } else {
        }
        %add3A_744 = arith.constant 2 : i32
        %add3A_745 = arith.addi %add3A_217, %add3A_744 : i32
        %mul3A_746 = arith.constant 8 : i32
        %mul3A_747 = arith.muli %add3A_745, %mul3A_746 : i32
        %add3A_748 = arith.addi %add3A_30, %mul3A_747 : i32
        %mul3A_749 = arith.constant 80 : i32
        %mul3A_750 = arith.muli %add3A_748, %mul3A_749 : i32
        %dma_start3A_751 = arith.constant 2 : i32
        %dma_start3A_752 = arith.constant 2 : i32
        %dma_start3A_753 = arith.constant 0 : i32
        %dma_start3A_754 = tpu.memref_slice %arg6[%dma_start3A_751, %dma_start3A_753] : memref<4x80xi32, #tpu.memory_space<vmem>> -> memref<1x80xi32, #tpu.memory_space<vmem>>
        %dma_start3A_755 = tpu.memref_squeeze %dma_start3A_754 : memref<1x80xi32, #tpu.memory_space<vmem>> -> memref<80xi32, #tpu.memory_space<vmem>>
        %dma_start3A_756 = tpu.memref_slice %arg3[%mul3A_750] : memref<100000xi32, #tpu.memory_space<hbm>> -> memref<80xi32, #tpu.memory_space<hbm>>
        %dma_start3A_757 = tpu.memref_slice %arg9[%dma_start3A_752] : memref<4x!tpu.dma_semaphore, #tpu.memory_space<semaphore_mem>> -> memref<1x!tpu.dma_semaphore, #tpu.memory_space<semaphore_mem>>
        %dma_start3A_758 = tpu.memref_squeeze %dma_start3A_757 : memref<1x!tpu.dma_semaphore, #tpu.memory_space<semaphore_mem>> -> memref<!tpu.dma_semaphore, #tpu.memory_space<semaphore_mem>>
        %dma_start3A_759 = arith.constant 0 : i32
        %dma_start3A_760 = tpu.memref_slice %arg6[%dma_start3A_751, %dma_start3A_759] : memref<4x80xi32, #tpu.memory_space<vmem>> -> memref<1x80xi32, #tpu.memory_space<vmem>>
        %dma_start3A_761 = tpu.memref_squeeze %dma_start3A_760 : memref<1x80xi32, #tpu.memory_space<vmem>> -> memref<80xi32, #tpu.memory_space<vmem>>
        %dma_start3A_762 = tpu.memref_slice %arg3[%mul3A_750] : memref<100000xi32, #tpu.memory_space<hbm>> -> memref<80xi32, #tpu.memory_space<hbm>>
        tpu.enqueue_dma source(%dma_start3A_762 : memref<80xi32, #tpu.memory_space<hbm>>) target(%dma_start3A_761 : memref<80xi32, #tpu.memory_space<vmem>>) target_semaphore(%dma_start3A_758 : memref<!tpu.dma_semaphore, #tpu.memory_space<semaphore_mem>>)
        %mul3A_763 = arith.constant 128 : i32
        %mul3A_764 = arith.muli %select_n3A_7, %mul3A_763 : i32
        %dma_start3A_765 = arith.constant 2 : i32
        %dma_start3A_766 = arith.constant 2 : i32
        %dma_start3A_767 = arith.constant 0 : i32
        %dma_start3A_768 = arith.constant 0 : i32
        %dma_start3A_769 = tpu.memref_slice %arg7[%dma_start3A_765, %dma_start3A_767, %dma_start3A_768] : memref<4x80x128xf32, #tpu.memory_space<vmem>> -> memref<1x80x128xf32, #tpu.memory_space<vmem>>
        %dma_start3A_770 = tpu.memref_squeeze %dma_start3A_769 : memref<1x80x128xf32, #tpu.memory_space<vmem>> -> memref<80x128xf32, #tpu.memory_space<vmem>>
        %dma_start3A_771 = tpu.memref_slice %arg2[%mul3A_750, %mul3A_764] : memref<100000x512xf32, #tpu.memory_space<hbm>> -> memref<80x128xf32, #tpu.memory_space<hbm>>
        %dma_start3A_772 = tpu.memref_slice %arg10[%dma_start3A_766] : memref<4x!tpu.dma_semaphore, #tpu.memory_space<semaphore_mem>> -> memref<1x!tpu.dma_semaphore, #tpu.memory_space<semaphore_mem>>
        %dma_start3A_773 = tpu.memref_squeeze %dma_start3A_772 : memref<1x!tpu.dma_semaphore, #tpu.memory_space<semaphore_mem>> -> memref<!tpu.dma_semaphore, #tpu.memory_space<semaphore_mem>>
        %dma_start3A_774 = arith.constant 0 : i32
        %dma_start3A_775 = arith.constant 0 : i32
        %dma_start3A_776 = tpu.memref_slice %arg7[%dma_start3A_765, %dma_start3A_774, %dma_start3A_775] : memref<4x80x128xf32, #tpu.memory_space<vmem>> -> memref<1x80x128xf32, #tpu.memory_space<vmem>>
        %dma_start3A_777 = tpu.memref_squeeze %dma_start3A_776 : memref<1x80x128xf32, #tpu.memory_space<vmem>> -> memref<80x128xf32, #tpu.memory_space<vmem>>
        %dma_start3A_778 = tpu.memref_slice %arg2[%mul3A_750, %mul3A_764] : memref<100000x512xf32, #tpu.memory_space<hbm>> -> memref<80x128xf32, #tpu.memory_space<hbm>>
        tpu.enqueue_dma source(%dma_start3A_778 : memref<80x128xf32, #tpu.memory_space<hbm>>) target(%dma_start3A_777 : memref<80x128xf32, #tpu.memory_space<vmem>>) target_semaphore(%dma_start3A_773 : memref<!tpu.dma_semaphore, #tpu.memory_space<semaphore_mem>>)
      } else {
      }
      %dma_wait3A_225 = arith.constant 0 : i32
      %dma_wait3A_226 = arith.constant 0 : i32
      %dma_wait3A_227 = arith.constant 0 : i32
      %dma_wait3A_228 = tpu.memref_slice %arg6[%dma_wait3A_225, %dma_wait3A_227] : memref<4x80xi32, #tpu.memory_space<vmem>> -> memref<1x80xi32, #tpu.memory_space<vmem>>
      %dma_wait3A_229 = tpu.memref_squeeze %dma_wait3A_228 : memref<1x80xi32, #tpu.memory_space<vmem>> -> memref<80xi32, #tpu.memory_space<vmem>>
      %dma_wait3A_230 = arith.constant 0 : i32
      %dma_wait3A_231 = tpu.memref_slice %arg3[%dma_wait3A_230] : memref<100000xi32, #tpu.memory_space<hbm>> -> memref<80xi32, #tpu.memory_space<hbm>>
      %dma_wait3A_232 = tpu.memref_slice %arg9[%dma_wait3A_226] : memref<4x!tpu.dma_semaphore, #tpu.memory_space<semaphore_mem>> -> memref<1x!tpu.dma_semaphore, #tpu.memory_space<semaphore_mem>>
      %dma_wait3A_233 = tpu.memref_squeeze %dma_wait3A_232 : memref<1x!tpu.dma_semaphore, #tpu.memory_space<semaphore_mem>> -> memref<!tpu.dma_semaphore, #tpu.memory_space<semaphore_mem>>
      %dma_wait3A_234 = arith.constant 0 : i32
      %dma_wait3A_235 = tpu.memref_slice %arg6[%dma_wait3A_225, %dma_wait3A_234] : memref<4x80xi32, #tpu.memory_space<vmem>> -> memref<1x80xi32, #tpu.memory_space<vmem>>
      %dma_wait3A_236 = tpu.memref_squeeze %dma_wait3A_235 : memref<1x80xi32, #tpu.memory_space<vmem>> -> memref<80xi32, #tpu.memory_space<vmem>>
      %dma_wait3A_237 = arith.constant 0 : i32
      %dma_wait3A_238 = tpu.memref_slice %arg3[%dma_wait3A_237] : memref<100000xi32, #tpu.memory_space<hbm>> -> memref<80xi32, #tpu.memory_space<hbm>>
      tpu.wait_dma2 semaphore(%dma_wait3A_233 : memref<!tpu.dma_semaphore, #tpu.memory_space<semaphore_mem>>) src(%dma_wait3A_238 : memref<80xi32, #tpu.memory_space<hbm>>) dst(%dma_wait3A_236 : memref<80xi32, #tpu.memory_space<vmem>>)
      %dma_wait3A_239 = arith.constant 0 : i32
      %dma_wait3A_240 = arith.constant 0 : i32
      %dma_wait3A_241 = arith.constant 0 : i32
      %dma_wait3A_242 = arith.constant 0 : i32
      %dma_wait3A_243 = tpu.memref_slice %arg7[%dma_wait3A_239, %dma_wait3A_241, %dma_wait3A_242] : memref<4x80x128xf32, #tpu.memory_space<vmem>> -> memref<1x80x128xf32, #tpu.memory_space<vmem>>
      %dma_wait3A_244 = tpu.memref_squeeze %dma_wait3A_243 : memref<1x80x128xf32, #tpu.memory_space<vmem>> -> memref<80x128xf32, #tpu.memory_space<vmem>>
      %dma_wait3A_245 = arith.constant 0 : i32
      %dma_wait3A_246 = arith.constant 0 : i32
      %dma_wait3A_247 = tpu.memref_slice %arg2[%dma_wait3A_245, %dma_wait3A_246] : memref<100000x512xf32, #tpu.memory_space<hbm>> -> memref<80x128xf32, #tpu.memory_space<hbm>>
      %dma_wait3A_248 = tpu.memref_slice %arg10[%dma_wait3A_240] : memref<4x!tpu.dma_semaphore, #tpu.memory_space<semaphore_mem>> -> memref<1x!tpu.dma_semaphore, #tpu.memory_space<semaphore_mem>>
      %dma_wait3A_249 = tpu.memref_squeeze %dma_wait3A_248 : memref<1x!tpu.dma_semaphore, #tpu.memory_space<semaphore_mem>> -> memref<!tpu.dma_semaphore, #tpu.memory_space<semaphore_mem>>
      %dma_wait3A_250 = arith.constant 0 : i32
      %dma_wait3A_251 = arith.constant 0 : i32
      %dma_wait3A_252 = tpu.memref_slice %arg7[%dma_wait3A_239, %dma_wait3A_250, %dma_wait3A_251] : memref<4x80x128xf32, #tpu.memory_space<vmem>> -> memref<1x80x128xf32, #tpu.memory_space<vmem>>
      %dma_wait3A_253 = tpu.memref_squeeze %dma_wait3A_252 : memref<1x80x128xf32, #tpu.memory_space<vmem>> -> memref<80x128xf32, #tpu.memory_space<vmem>>
      %dma_wait3A_254 = arith.constant 0 : i32
      %dma_wait3A_255 = arith.constant 0 : i32
      %dma_wait3A_256 = tpu.memref_slice %arg2[%dma_wait3A_254, %dma_wait3A_255] : memref<100000x512xf32, #tpu.memory_space<hbm>> -> memref<80x128xf32, #tpu.memory_space<hbm>>
      tpu.wait_dma2 semaphore(%dma_wait3A_249 : memref<!tpu.dma_semaphore, #tpu.memory_space<semaphore_mem>>) src(%dma_wait3A_256 : memref<80x128xf32, #tpu.memory_space<hbm>>) dst(%dma_wait3A_253 : memref<80x128xf32, #tpu.memory_space<vmem>>)
      %get3A = arith.constant 0 : i32
      %get3A_257 = arith.index_cast %get3A : i32 to index
      %get3A_258 = arith.constant 0 : index
      %get3A_259 = tpu.vector_load %arg6[%get3A_257, %get3A_258] {strides = array<i32>} : memref<4x80xi32, #tpu.memory_space<vmem>>, vector<1x16xi32>,
      %get3A_260 = vector.shape_cast %get3A_259 : vector<1x16xi32> to vector<16xi32>
      %mul3A_261 = arith.constant 1024 : i32
      %mul3A_262 = arith.muli %select_n3A_7, %mul3A_261 : i32
      %add3A_263 = vector.broadcast %mul3A_262 : i32 to vector<16xi32>
      %add3A_264 = arith.addi %get3A_260, %add3A_263 : vector<16xi32>
      %swap3A = arith.constant 0 : i32
      %swap3A_265 = arith.index_cast %swap3A : i32 to index
      %swap3A_266 = arith.constant 0 : index
      %swap3A_267 = tpu.vector_load %arg6[%swap3A_265, %swap3A_266] {strides = array<i32>} : memref<4x80xi32, #tpu.memory_space<vmem>>, vector<1x16xi32>,
      %swap3A_268 = vector.shape_cast %swap3A_267 : vector<1x16xi32> to vector<16xi32>
      %swap3A_269 = vector.shape_cast %add3A_264 : vector<16xi32> to vector<1x16xi32>
      tpu.vector_store %arg6[%swap3A_265, %swap3A_266], %swap3A_269 {strides = array<i32>} : memref<4x80xi32, #tpu.memory_space<vmem>>, vector<1x16xi32>,
      %get3A_270 = arith.constant 0 : i32
      %get3A_271 = arith.index_cast %get3A_270 : i32 to index
      %get3A_272 = arith.constant 16 : index
      %get3A_273 = tpu.vector_load %arg6[%get3A_271, %get3A_272] {strides = array<i32>} : memref<4x80xi32, #tpu.memory_space<vmem>>, vector<1x16xi32>,
      %get3A_274 = vector.shape_cast %get3A_273 : vector<1x16xi32> to vector<16xi32>
      %mul3A_275 = arith.constant 1024 : i32
      %mul3A_276 = arith.muli %select_n3A_7, %mul3A_275 : i32
      %add3A_277 = vector.broadcast %mul3A_276 : i32 to vector<16xi32>
      %add3A_278 = arith.addi %get3A_274, %add3A_277 : vector<16xi32>
      %swap3A_279 = arith.constant 0 : i32
      %swap3A_280 = arith.index_cast %swap3A_279 : i32 to index
      %swap3A_281 = arith.constant 16 : index
      %swap3A_282 = tpu.vector_load %arg6[%swap3A_280, %swap3A_281] {strides = array<i32>} : memref<4x80xi32, #tpu.memory_space<vmem>>, vector<1x16xi32>,
      %swap3A_283 = vector.shape_cast %swap3A_282 : vector<1x16xi32> to vector<16xi32>
      %swap3A_284 = vector.shape_cast %add3A_278 : vector<16xi32> to vector<1x16xi32>
      tpu.vector_store %arg6[%swap3A_280, %swap3A_281], %swap3A_284 {strides = array<i32>} : memref<4x80xi32, #tpu.memory_space<vmem>>, vector<1x16xi32>,
      %get3A_285 = arith.constant 0 : i32
      %get3A_286 = arith.index_cast %get3A_285 : i32 to index
      %get3A_287 = arith.constant 32 : index
      %get3A_288 = tpu.vector_load %arg6[%get3A_286, %get3A_287] {strides = array<i32>} : memref<4x80xi32, #tpu.memory_space<vmem>>, vector<1x16xi32>,
      %get3A_289 = vector.shape_cast %get3A_288 : vector<1x16xi32> to vector<16xi32>
      %mul3A_290 = arith.constant 1024 : i32
      %mul3A_291 = arith.muli %select_n3A_7, %mul3A_290 : i32
      %add3A_292 = vector.broadcast %mul3A_291 : i32 to vector<16xi32>
      %add3A_293 = arith.addi %get3A_289, %add3A_292 : vector<16xi32>
      %swap3A_294 = arith.constant 0 : i32
      %swap3A_295 = arith.index_cast %swap3A_294 : i32 to index
      %swap3A_296 = arith.constant 32 : index
      %swap3A_297 = tpu.vector_load %arg6[%swap3A_295, %swap3A_296] {strides = array<i32>} : memref<4x80xi32, #tpu.memory_space<vmem>>, vector<1x16xi32>,
      %swap3A_298 = vector.shape_cast %swap3A_297 : vector<1x16xi32> to vector<16xi32>
      %swap3A_299 = vector.shape_cast %add3A_293 : vector<16xi32> to vector<1x16xi32>
      tpu.vector_store %arg6[%swap3A_295, %swap3A_296], %swap3A_299 {strides = array<i32>} : memref<4x80xi32, #tpu.memory_space<vmem>>, vector<1x16xi32>,
      %get3A_300 = arith.constant 0 : i32
      %get3A_301 = arith.index_cast %get3A_300 : i32 to index
      %get3A_302 = arith.constant 48 : index
      %get3A_303 = tpu.vector_load %arg6[%get3A_301, %get3A_302] {strides = array<i32>} : memref<4x80xi32, #tpu.memory_space<vmem>>, vector<1x16xi32>,
      %get3A_304 = vector.shape_cast %get3A_303 : vector<1x16xi32> to vector<16xi32>
      %mul3A_305 = arith.constant 1024 : i32
      %mul3A_306 = arith.muli %select_n3A_7, %mul3A_305 : i32
      %add3A_307 = vector.broadcast %mul3A_306 : i32 to vector<16xi32>
      %add3A_308 = arith.addi %get3A_304, %add3A_307 : vector<16xi32>
      %swap3A_309 = arith.constant 0 : i32
      %swap3A_310 = arith.index_cast %swap3A_309 : i32 to index
      %swap3A_311 = arith.constant 48 : index
      %swap3A_312 = tpu.vector_load %arg6[%swap3A_310, %swap3A_311] {strides = array<i32>} : memref<4x80xi32, #tpu.memory_space<vmem>>, vector<1x16xi32>,
      %swap3A_313 = vector.shape_cast %swap3A_312 : vector<1x16xi32> to vector<16xi32>
      %swap3A_314 = vector.shape_cast %add3A_308 : vector<16xi32> to vector<1x16xi32>
      tpu.vector_store %arg6[%swap3A_310, %swap3A_311], %swap3A_314 {strides = array<i32>} : memref<4x80xi32, #tpu.memory_space<vmem>>, vector<1x16xi32>,
      %get3A_315 = arith.constant 0 : i32
      %get3A_316 = arith.index_cast %get3A_315 : i32 to index
      %get3A_317 = arith.constant 64 : index
      %get3A_318 = tpu.vector_load %arg6[%get3A_316, %get3A_317] {strides = array<i32>} : memref<4x80xi32, #tpu.memory_space<vmem>>, vector<1x16xi32>,
      %get3A_319 = vector.shape_cast %get3A_318 : vector<1x16xi32> to vector<16xi32>
      %mul3A_320 = arith.constant 1024 : i32
      %mul3A_321 = arith.muli %select_n3A_7, %mul3A_320 : i32
      %add3A_322 = vector.broadcast %mul3A_321 : i32 to vector<16xi32>
      %add3A_323 = arith.addi %get3A_319, %add3A_322 : vector<16xi32>
      %swap3A_324 = arith.constant 0 : i32
      %swap3A_325 = arith.index_cast %swap3A_324 : i32 to index
      %swap3A_326 = arith.constant 64 : index
      %swap3A_327 = tpu.vector_load %arg6[%swap3A_325, %swap3A_326] {strides = array<i32>} : memref<4x80xi32, #tpu.memory_space<vmem>>, vector<1x16xi32>,
      %swap3A_328 = vector.shape_cast %swap3A_327 : vector<1x16xi32> to vector<16xi32>
      %swap3A_329 = vector.shape_cast %add3A_323 : vector<16xi32> to vector<1x16xi32>
      tpu.vector_store %arg6[%swap3A_325, %swap3A_326], %swap3A_329 {strides = array<i32>} : memref<4x80xi32, #tpu.memory_space<vmem>>, vector<1x16xi32>,
      %dma_start3A_330 = arith.constant 0 : i32
      %dma_start3A_331 = arith.constant 0 : i32
      %dma_start3A_332 = arith.constant 0 : i32
      %dma_start3A_333 = arith.constant 0 : i32
      %dma_start3A_334 = arith.constant 0 : i32
      %dma_start3A_335 = tpu.memref_slice %arg7[%dma_start3A_330, %dma_start3A_333, %dma_start3A_334] : memref<4x80x128xf32, #tpu.memory_space<vmem>> -> memref<1x80x128xf32, #tpu.memory_space<vmem>>
      %dma_start3A_336 = tpu.memref_squeeze %dma_start3A_335 : memref<1x80x128xf32, #tpu.memory_space<vmem>> -> memref<80x128xf32, #tpu.memory_space<vmem>>
      %dma_start3A_337 = arith.constant 0 : i32
      %dma_start3A_338 = tpu.memref_slice %arg6[%dma_start3A_331, %dma_start3A_337] : memref<4x80xi32, #tpu.memory_space<vmem>> -> memref<1x80xi32, #tpu.memory_space<vmem>>
      %dma_start3A_339 = tpu.memref_squeeze %dma_start3A_338 : memref<1x80xi32, #tpu.memory_space<vmem>> -> memref<80xi32, #tpu.memory_space<vmem>>
      %dma_start3A_340 = arith.constant 0 : i32
      %dma_start3A_341 = arith.constant 0 : i32
      %dma_start3A_342 = tpu.memref_slice %arg8[%dma_start3A_340, %dma_start3A_341] : memref<4096x128xf32, #tpu.memory_space<vmem_shared>> -> memref<4096x128xf32, #tpu.memory_space<vmem_shared>>
      %dma_start3A_343 = tpu.memref_slice %arg11[%dma_start3A_332] : memref<4x!tpu.dma_semaphore, #tpu.memory_space<semaphore_mem>> -> memref<1x!tpu.dma_semaphore, #tpu.memory_space<semaphore_mem>>
      %dma_start3A_344 = tpu.memref_squeeze %dma_start3A_343 : memref<1x!tpu.dma_semaphore, #tpu.memory_space<semaphore_mem>> -> memref<!tpu.dma_semaphore, #tpu.memory_space<semaphore_mem>>
      tpu.enqueue_indirect_dma source(%dma_start3A_336 : memref<80x128xf32, #tpu.memory_space<vmem>>) target(%dma_start3A_342 : memref<4096x128xf32, #tpu.memory_space<vmem_shared>>) offsets(%dma_start3A_339 : memref<80xi32, #tpu.memory_space<vmem>>) semaphore(%dma_start3A_344 : memref<!tpu.dma_semaphore, #tpu.memory_space<semaphore_mem>>) {add = true}
      %add3A_345 = arith.constant 1 : i32
      %add3A_346 = arith.addi %add3A_215, %add3A_345 : i32
      %add3A_347 = arith.constant 2 : i32
      %add3A_348 = arith.addi %add3A_346, %add3A_347 : i32
      %lt3A_349 = arith.constant 156 : i32
      %lt3A_350 = arith.cmpi slt, %add3A_348, %lt3A_349 : i32
      %convert_element_type3A_351 = arith.extui %lt3A_350 : i1 to i32
      %cond3A_352 = arith.constant 0 : i32
      %cond3A_353 = arith.cmpi ne, %convert_element_type3A_351, %cond3A_352 : i32
      scf.if %cond3A_353 {
        %sub3A_738 = arith.constant 2 : i32
        %sub3A_739 = arith.subi %add3A_346, %sub3A_738 : i32
        %ge3A = arith.constant 0 : i32
        %ge3A_740 = arith.cmpi sge, %sub3A_739, %ge3A : i32
        %convert_element_type3A_741 = arith.extui %ge3A_740 : i1 to i32
        %cond3A_742 = arith.constant 0 : i32
        %cond3A_743 = arith.cmpi ne, %convert_element_type3A_741, %cond3A_742 : i32
        scf.if %cond3A_743 {
          %dma_wait3A_779 = arith.constant 3 : i32
          %dma_wait3A_780 = arith.constant 3 : i32
          %dma_wait3A_781 = arith.constant 3 : i32
          %dma_wait3A_782 = arith.constant 0 : i32
          %dma_wait3A_783 = arith.constant 0 : i32
          %dma_wait3A_784 = tpu.memref_slice %arg7[%dma_wait3A_779, %dma_wait3A_782, %dma_wait3A_783] : memref<4x80x128xf32, #tpu.memory_space<vmem>> -> memref<1x80x128xf32, #tpu.memory_space<vmem>>
          %dma_wait3A_785 = tpu.memref_squeeze %dma_wait3A_784 : memref<1x80x128xf32, #tpu.memory_space<vmem>> -> memref<80x128xf32, #tpu.memory_space<vmem>>
          %dma_wait3A_786 = arith.constant 0 : i32
          %dma_wait3A_787 = tpu.memref_slice %arg6[%dma_wait3A_780, %dma_wait3A_786] : memref<4x80xi32, #tpu.memory_space<vmem>> -> memref<1x80xi32, #tpu.memory_space<vmem>>
          %dma_wait3A_788 = tpu.memref_squeeze %dma_wait3A_787 : memref<1x80xi32, #tpu.memory_space<vmem>> -> memref<80xi32, #tpu.memory_space<vmem>>
          %dma_wait3A_789 = arith.constant 0 : i32
          %dma_wait3A_790 = arith.constant 0 : i32
          %dma_wait3A_791 = tpu.memref_slice %arg8[%dma_wait3A_789, %dma_wait3A_790] : memref<4096x128xf32, #tpu.memory_space<vmem_shared>> -> memref<4096x128xf32, #tpu.memory_space<vmem_shared>>
          %dma_wait3A_792 = tpu.memref_slice %arg11[%dma_wait3A_781] : memref<4x!tpu.dma_semaphore, #tpu.memory_space<semaphore_mem>> -> memref<1x!tpu.dma_semaphore, #tpu.memory_space<semaphore_mem>>
          %dma_wait3A_793 = tpu.memref_squeeze %dma_wait3A_792 : memref<1x!tpu.dma_semaphore, #tpu.memory_space<semaphore_mem>> -> memref<!tpu.dma_semaphore, #tpu.memory_space<semaphore_mem>>
          tpu.wait_indirect_dma semaphore(%dma_wait3A_793 : memref<!tpu.dma_semaphore, #tpu.memory_space<semaphore_mem>>) src(%dma_wait3A_785 : memref<80x128xf32, #tpu.memory_space<vmem>>) dst(%dma_wait3A_791 : memref<4096x128xf32, #tpu.memory_space<vmem_shared>>)
        } else {
        }
        %add3A_744 = arith.constant 2 : i32
        %add3A_745 = arith.addi %add3A_346, %add3A_744 : i32
        %mul3A_746 = arith.constant 8 : i32
        %mul3A_747 = arith.muli %add3A_745, %mul3A_746 : i32
        %add3A_748 = arith.addi %add3A_30, %mul3A_747 : i32
        %mul3A_749 = arith.constant 80 : i32
        %mul3A_750 = arith.muli %add3A_748, %mul3A_749 : i32
        %dma_start3A_751 = arith.constant 3 : i32
        %dma_start3A_752 = arith.constant 3 : i32
        %dma_start3A_753 = arith.constant 0 : i32
        %dma_start3A_754 = tpu.memref_slice %arg6[%dma_start3A_751, %dma_start3A_753] : memref<4x80xi32, #tpu.memory_space<vmem>> -> memref<1x80xi32, #tpu.memory_space<vmem>>
        %dma_start3A_755 = tpu.memref_squeeze %dma_start3A_754 : memref<1x80xi32, #tpu.memory_space<vmem>> -> memref<80xi32, #tpu.memory_space<vmem>>
        %dma_start3A_756 = tpu.memref_slice %arg3[%mul3A_750] : memref<100000xi32, #tpu.memory_space<hbm>> -> memref<80xi32, #tpu.memory_space<hbm>>
        %dma_start3A_757 = tpu.memref_slice %arg9[%dma_start3A_752] : memref<4x!tpu.dma_semaphore, #tpu.memory_space<semaphore_mem>> -> memref<1x!tpu.dma_semaphore, #tpu.memory_space<semaphore_mem>>
        %dma_start3A_758 = tpu.memref_squeeze %dma_start3A_757 : memref<1x!tpu.dma_semaphore, #tpu.memory_space<semaphore_mem>> -> memref<!tpu.dma_semaphore, #tpu.memory_space<semaphore_mem>>
        %dma_start3A_759 = arith.constant 0 : i32
        %dma_start3A_760 = tpu.memref_slice %arg6[%dma_start3A_751, %dma_start3A_759] : memref<4x80xi32, #tpu.memory_space<vmem>> -> memref<1x80xi32, #tpu.memory_space<vmem>>
        %dma_start3A_761 = tpu.memref_squeeze %dma_start3A_760 : memref<1x80xi32, #tpu.memory_space<vmem>> -> memref<80xi32, #tpu.memory_space<vmem>>
        %dma_start3A_762 = tpu.memref_slice %arg3[%mul3A_750] : memref<100000xi32, #tpu.memory_space<hbm>> -> memref<80xi32, #tpu.memory_space<hbm>>
        tpu.enqueue_dma source(%dma_start3A_762 : memref<80xi32, #tpu.memory_space<hbm>>) target(%dma_start3A_761 : memref<80xi32, #tpu.memory_space<vmem>>) target_semaphore(%dma_start3A_758 : memref<!tpu.dma_semaphore, #tpu.memory_space<semaphore_mem>>)
        %mul3A_763 = arith.constant 128 : i32
        %mul3A_764 = arith.muli %select_n3A_7, %mul3A_763 : i32
        %dma_start3A_765 = arith.constant 3 : i32
        %dma_start3A_766 = arith.constant 3 : i32
        %dma_start3A_767 = arith.constant 0 : i32
        %dma_start3A_768 = arith.constant 0 : i32
        %dma_start3A_769 = tpu.memref_slice %arg7[%dma_start3A_765, %dma_start3A_767, %dma_start3A_768] : memref<4x80x128xf32, #tpu.memory_space<vmem>> -> memref<1x80x128xf32, #tpu.memory_space<vmem>>
        %dma_start3A_770 = tpu.memref_squeeze %dma_start3A_769 : memref<1x80x128xf32, #tpu.memory_space<vmem>> -> memref<80x128xf32, #tpu.memory_space<vmem>>
        %dma_start3A_771 = tpu.memref_slice %arg2[%mul3A_750, %mul3A_764] : memref<100000x512xf32, #tpu.memory_space<hbm>> -> memref<80x128xf32, #tpu.memory_space<hbm>>
        %dma_start3A_772 = tpu.memref_slice %arg10[%dma_start3A_766] : memref<4x!tpu.dma_semaphore, #tpu.memory_space<semaphore_mem>> -> memref<1x!tpu.dma_semaphore, #tpu.memory_space<semaphore_mem>>
        %dma_start3A_773 = tpu.memref_squeeze %dma_start3A_772 : memref<1x!tpu.dma_semaphore, #tpu.memory_space<semaphore_mem>> -> memref<!tpu.dma_semaphore, #tpu.memory_space<semaphore_mem>>
        %dma_start3A_774 = arith.constant 0 : i32
        %dma_start3A_775 = arith.constant 0 : i32
        %dma_start3A_776 = tpu.memref_slice %arg7[%dma_start3A_765, %dma_start3A_774, %dma_start3A_775] : memref<4x80x128xf32, #tpu.memory_space<vmem>> -> memref<1x80x128xf32, #tpu.memory_space<vmem>>
        %dma_start3A_777 = tpu.memref_squeeze %dma_start3A_776 : memref<1x80x128xf32, #tpu.memory_space<vmem>> -> memref<80x128xf32, #tpu.memory_space<vmem>>
        %dma_start3A_778 = tpu.memref_slice %arg2[%mul3A_750, %mul3A_764] : memref<100000x512xf32, #tpu.memory_space<hbm>> -> memref<80x128xf32, #tpu.memory_space<hbm>>
        tpu.enqueue_dma source(%dma_start3A_778 : memref<80x128xf32, #tpu.memory_space<hbm>>) target(%dma_start3A_777 : memref<80x128xf32, #tpu.memory_space<vmem>>) target_semaphore(%dma_start3A_773 : memref<!tpu.dma_semaphore, #tpu.memory_space<semaphore_mem>>)
      } else {
      }
      %dma_wait3A_354 = arith.constant 1 : i32
      %dma_wait3A_355 = arith.constant 1 : i32
      %dma_wait3A_356 = arith.constant 0 : i32
      %dma_wait3A_357 = tpu.memref_slice %arg6[%dma_wait3A_354, %dma_wait3A_356] : memref<4x80xi32, #tpu.memory_space<vmem>> -> memref<1x80xi32, #tpu.memory_space<vmem>>
      %dma_wait3A_358 = tpu.memref_squeeze %dma_wait3A_357 : memref<1x80xi32, #tpu.memory_space<vmem>> -> memref<80xi32, #tpu.memory_space<vmem>>
      %dma_wait3A_359 = arith.constant 0 : i32
      %dma_wait3A_360 = tpu.memref_slice %arg3[%dma_wait3A_359] : memref<100000xi32, #tpu.memory_space<hbm>> -> memref<80xi32, #tpu.memory_space<hbm>>
      %dma_wait3A_361 = tpu.memref_slice %arg9[%dma_wait3A_355] : memref<4x!tpu.dma_semaphore, #tpu.memory_space<semaphore_mem>> -> memref<1x!tpu.dma_semaphore, #tpu.memory_space<semaphore_mem>>
      %dma_wait3A_362 = tpu.memref_squeeze %dma_wait3A_361 : memref<1x!tpu.dma_semaphore, #tpu.memory_space<semaphore_mem>> -> memref<!tpu.dma_semaphore, #tpu.memory_space<semaphore_mem>>
      %dma_wait3A_363 = arith.constant 0 : i32
      %dma_wait3A_364 = tpu.memref_slice %arg6[%dma_wait3A_354, %dma_wait3A_363] : memref<4x80xi32, #tpu.memory_space<vmem>> -> memref<1x80xi32, #tpu.memory_space<vmem>>
      %dma_wait3A_365 = tpu.memref_squeeze %dma_wait3A_364 : memref<1x80xi32, #tpu.memory_space<vmem>> -> memref<80xi32, #tpu.memory_space<vmem>>
      %dma_wait3A_366 = arith.constant 0 : i32
      %dma_wait3A_367 = tpu.memref_slice %arg3[%dma_wait3A_366] : memref<100000xi32, #tpu.memory_space<hbm>> -> memref<80xi32, #tpu.memory_space<hbm>>
      tpu.wait_dma2 semaphore(%dma_wait3A_362 : memref<!tpu.dma_semaphore, #tpu.memory_space<semaphore_mem>>) src(%dma_wait3A_367 : memref<80xi32, #tpu.memory_space<hbm>>) dst(%dma_wait3A_365 : memref<80xi32, #tpu.memory_space<vmem>>)
      %dma_wait3A_368 = arith.constant 1 : i32
      %dma_wait3A_369 = arith.constant 1 : i32
      %dma_wait3A_370 = arith.constant 0 : i32
      %dma_wait3A_371 = arith.constant 0 : i32
      %dma_wait3A_372 = tpu.memref_slice %arg7[%dma_wait3A_368, %dma_wait3A_370, %dma_wait3A_371] : memref<4x80x128xf32, #tpu.memory_space<vmem>> -> memref<1x80x128xf32, #tpu.memory_space<vmem>>
      %dma_wait3A_373 = tpu.memref_squeeze %dma_wait3A_372 : memref<1x80x128xf32, #tpu.memory_space<vmem>> -> memref<80x128xf32, #tpu.memory_space<vmem>>
      %dma_wait3A_374 = arith.constant 0 : i32
      %dma_wait3A_375 = arith.constant 0 : i32
      %dma_wait3A_376 = tpu.memref_slice %arg2[%dma_wait3A_374, %dma_wait3A_375] : memref<100000x512xf32, #tpu.memory_space<hbm>> -> memref<80x128xf32, #tpu.memory_space<hbm>>
      %dma_wait3A_377 = tpu.memref_slice %arg10[%dma_wait3A_369] : memref<4x!tpu.dma_semaphore, #tpu.memory_space<semaphore_mem>> -> memref<1x!tpu.dma_semaphore, #tpu.memory_space<semaphore_mem>>
      %dma_wait3A_378 = tpu.memref_squeeze %dma_wait3A_377 : memref<1x!tpu.dma_semaphore, #tpu.memory_space<semaphore_mem>> -> memref<!tpu.dma_semaphore, #tpu.memory_space<semaphore_mem>>
      %dma_wait3A_379 = arith.constant 0 : i32
      %dma_wait3A_380 = arith.constant 0 : i32
      %dma_wait3A_381 = tpu.memref_slice %arg7[%dma_wait3A_368, %dma_wait3A_379, %dma_wait3A_380] : memref<4x80x128xf32, #tpu.memory_space<vmem>> -> memref<1x80x128xf32, #tpu.memory_space<vmem>>
      %dma_wait3A_382 = tpu.memref_squeeze %dma_wait3A_381 : memref<1x80x128xf32, #tpu.memory_space<vmem>> -> memref<80x128xf32, #tpu.memory_space<vmem>>
      %dma_wait3A_383 = arith.constant 0 : i32
      %dma_wait3A_384 = arith.constant 0 : i32
      %dma_wait3A_385 = tpu.memref_slice %arg2[%dma_wait3A_383, %dma_wait3A_384] : memref<100000x512xf32, #tpu.memory_space<hbm>> -> memref<80x128xf32, #tpu.memory_space<hbm>>
      tpu.wait_dma2 semaphore(%dma_wait3A_378 : memref<!tpu.dma_semaphore, #tpu.memory_space<semaphore_mem>>) src(%dma_wait3A_385 : memref<80x128xf32, #tpu.memory_space<hbm>>) dst(%dma_wait3A_382 : memref<80x128xf32, #tpu.memory_space<vmem>>)
      %get3A_386 = arith.constant 1 : i32
      %get3A_387 = arith.index_cast %get3A_386 : i32 to index
      %get3A_388 = arith.constant 0 : index
      %get3A_389 = tpu.vector_load %arg6[%get3A_387, %get3A_388] {strides = array<i32>} : memref<4x80xi32, #tpu.memory_space<vmem>>, vector<1x16xi32>,
      %get3A_390 = vector.shape_cast %get3A_389 : vector<1x16xi32> to vector<16xi32>
      %mul3A_391 = arith.constant 1024 : i32
      %mul3A_392 = arith.muli %select_n3A_7, %mul3A_391 : i32
      %add3A_393 = vector.broadcast %mul3A_392 : i32 to vector<16xi32>
      %add3A_394 = arith.addi %get3A_390, %add3A_393 : vector<16xi32>
      %swap3A_395 = arith.constant 1 : i32
      %swap3A_396 = arith.index_cast %swap3A_395 : i32 to index
      %swap3A_397 = arith.constant 0 : index
      %swap3A_398 = tpu.vector_load %arg6[%swap3A_396, %swap3A_397] {strides = array<i32>} : memref<4x80xi32, #tpu.memory_space<vmem>>, vector<1x16xi32>,
      %swap3A_399 = vector.shape_cast %swap3A_398 : vector<1x16xi32> to vector<16xi32>
      %swap3A_400 = vector.shape_cast %add3A_394 : vector<16xi32> to vector<1x16xi32>
      tpu.vector_store %arg6[%swap3A_396, %swap3A_397], %swap3A_400 {strides = array<i32>} : memref<4x80xi32, #tpu.memory_space<vmem>>, vector<1x16xi32>,
      %get3A_401 = arith.constant 1 : i32
      %get3A_402 = arith.index_cast %get3A_401 : i32 to index
      %get3A_403 = arith.constant 16 : index
      %get3A_404 = tpu.vector_load %arg6[%get3A_402, %get3A_403] {strides = array<i32>} : memref<4x80xi32, #tpu.memory_space<vmem>>, vector<1x16xi32>,
      %get3A_405 = vector.shape_cast %get3A_404 : vector<1x16xi32> to vector<16xi32>
      %mul3A_406 = arith.constant 1024 : i32
      %mul3A_407 = arith.muli %select_n3A_7, %mul3A_406 : i32
      %add3A_408 = vector.broadcast %mul3A_407 : i32 to vector<16xi32>
      %add3A_409 = arith.addi %get3A_405, %add3A_408 : vector<16xi32>
      %swap3A_410 = arith.constant 1 : i32
      %swap3A_411 = arith.index_cast %swap3A_410 : i32 to index
      %swap3A_412 = arith.constant 16 : index
      %swap3A_413 = tpu.vector_load %arg6[%swap3A_411, %swap3A_412] {strides = array<i32>} : memref<4x80xi32, #tpu.memory_space<vmem>>, vector<1x16xi32>,
      %swap3A_414 = vector.shape_cast %swap3A_413 : vector<1x16xi32> to vector<16xi32>
      %swap3A_415 = vector.shape_cast %add3A_409 : vector<16xi32> to vector<1x16xi32>
      tpu.vector_store %arg6[%swap3A_411, %swap3A_412], %swap3A_415 {strides = array<i32>} : memref<4x80xi32, #tpu.memory_space<vmem>>, vector<1x16xi32>,
      %get3A_416 = arith.constant 1 : i32
      %get3A_417 = arith.index_cast %get3A_416 : i32 to index
      %get3A_418 = arith.constant 32 : index
      %get3A_419 = tpu.vector_load %arg6[%get3A_417, %get3A_418] {strides = array<i32>} : memref<4x80xi32, #tpu.memory_space<vmem>>, vector<1x16xi32>,
      %get3A_420 = vector.shape_cast %get3A_419 : vector<1x16xi32> to vector<16xi32>
      %mul3A_421 = arith.constant 1024 : i32
      %mul3A_422 = arith.muli %select_n3A_7, %mul3A_421 : i32
      %add3A_423 = vector.broadcast %mul3A_422 : i32 to vector<16xi32>
      %add3A_424 = arith.addi %get3A_420, %add3A_423 : vector<16xi32>
      %swap3A_425 = arith.constant 1 : i32
      %swap3A_426 = arith.index_cast %swap3A_425 : i32 to index
      %swap3A_427 = arith.constant 32 : index
      %swap3A_428 = tpu.vector_load %arg6[%swap3A_426, %swap3A_427] {strides = array<i32>} : memref<4x80xi32, #tpu.memory_space<vmem>>, vector<1x16xi32>,
      %swap3A_429 = vector.shape_cast %swap3A_428 : vector<1x16xi32> to vector<16xi32>
      %swap3A_430 = vector.shape_cast %add3A_424 : vector<16xi32> to vector<1x16xi32>
      tpu.vector_store %arg6[%swap3A_426, %swap3A_427], %swap3A_430 {strides = array<i32>} : memref<4x80xi32, #tpu.memory_space<vmem>>, vector<1x16xi32>,
      %get3A_431 = arith.constant 1 : i32
      %get3A_432 = arith.index_cast %get3A_431 : i32 to index
      %get3A_433 = arith.constant 48 : index
      %get3A_434 = tpu.vector_load %arg6[%get3A_432, %get3A_433] {strides = array<i32>} : memref<4x80xi32, #tpu.memory_space<vmem>>, vector<1x16xi32>,
      %get3A_435 = vector.shape_cast %get3A_434 : vector<1x16xi32> to vector<16xi32>
      %mul3A_436 = arith.constant 1024 : i32
      %mul3A_437 = arith.muli %select_n3A_7, %mul3A_436 : i32
      %add3A_438 = vector.broadcast %mul3A_437 : i32 to vector<16xi32>
      %add3A_439 = arith.addi %get3A_435, %add3A_438 : vector<16xi32>
      %swap3A_440 = arith.constant 1 : i32
      %swap3A_441 = arith.index_cast %swap3A_440 : i32 to index
      %swap3A_442 = arith.constant 48 : index
      %swap3A_443 = tpu.vector_load %arg6[%swap3A_441, %swap3A_442] {strides = array<i32>} : memref<4x80xi32, #tpu.memory_space<vmem>>, vector<1x16xi32>,
      %swap3A_444 = vector.shape_cast %swap3A_443 : vector<1x16xi32> to vector<16xi32>
      %swap3A_445 = vector.shape_cast %add3A_439 : vector<16xi32> to vector<1x16xi32>
      tpu.vector_store %arg6[%swap3A_441, %swap3A_442], %swap3A_445 {strides = array<i32>} : memref<4x80xi32, #tpu.memory_space<vmem>>, vector<1x16xi32>,
      %get3A_446 = arith.constant 1 : i32
      %get3A_447 = arith.index_cast %get3A_446 : i32 to index
      %get3A_448 = arith.constant 64 : index
      %get3A_449 = tpu.vector_load %arg6[%get3A_447, %get3A_448] {strides = array<i32>} : memref<4x80xi32, #tpu.memory_space<vmem>>, vector<1x16xi32>,
      %get3A_450 = vector.shape_cast %get3A_449 : vector<1x16xi32> to vector<16xi32>
      %mul3A_451 = arith.constant 1024 : i32
      %mul3A_452 = arith.muli %select_n3A_7, %mul3A_451 : i32
      %add3A_453 = vector.broadcast %mul3A_452 : i32 to vector<16xi32>
      %add3A_454 = arith.addi %get3A_450, %add3A_453 : vector<16xi32>
      %swap3A_455 = arith.constant 1 : i32
      %swap3A_456 = arith.index_cast %swap3A_455 : i32 to index
      %swap3A_457 = arith.constant 64 : index
      %swap3A_458 = tpu.vector_load %arg6[%swap3A_456, %swap3A_457] {strides = array<i32>} : memref<4x80xi32, #tpu.memory_space<vmem>>, vector<1x16xi32>,
      %swap3A_459 = vector.shape_cast %swap3A_458 : vector<1x16xi32> to vector<16xi32>
      %swap3A_460 = vector.shape_cast %add3A_454 : vector<16xi32> to vector<1x16xi32>
      tpu.vector_store %arg6[%swap3A_456, %swap3A_457], %swap3A_460 {strides = array<i32>} : memref<4x80xi32, #tpu.memory_space<vmem>>, vector<1x16xi32>,
      %dma_start3A_461 = arith.constant 1 : i32
      %dma_start3A_462 = arith.constant 1 : i32
      %dma_start3A_463 = arith.constant 1 : i32
      %dma_start3A_464 = arith.constant 0 : i32
      %dma_start3A_465 = arith.constant 0 : i32
      %dma_start3A_466 = tpu.memref_slice %arg7[%dma_start3A_461, %dma_start3A_464, %dma_start3A_465] : memref<4x80x128xf32, #tpu.memory_space<vmem>> -> memref<1x80x128xf32, #tpu.memory_space<vmem>>
      %dma_start3A_467 = tpu.memref_squeeze %dma_start3A_466 : memref<1x80x128xf32, #tpu.memory_space<vmem>> -> memref<80x128xf32, #tpu.memory_space<vmem>>
      %dma_start3A_468 = arith.constant 0 : i32
      %dma_start3A_469 = tpu.memref_slice %arg6[%dma_start3A_462, %dma_start3A_468] : memref<4x80xi32, #tpu.memory_space<vmem>> -> memref<1x80xi32, #tpu.memory_space<vmem>>
      %dma_start3A_470 = tpu.memref_squeeze %dma_start3A_469 : memref<1x80xi32, #tpu.memory_space<vmem>> -> memref<80xi32, #tpu.memory_space<vmem>>
      %dma_start3A_471 = arith.constant 0 : i32
      %dma_start3A_472 = arith.constant 0 : i32
      %dma_start3A_473 = tpu.memref_slice %arg8[%dma_start3A_471, %dma_start3A_472] : memref<4096x128xf32, #tpu.memory_space<vmem_shared>> -> memref<4096x128xf32, #tpu.memory_space<vmem_shared>>
      %dma_start3A_474 = tpu.memref_slice %arg11[%dma_start3A_463] : memref<4x!tpu.dma_semaphore, #tpu.memory_space<semaphore_mem>> -> memref<1x!tpu.dma_semaphore, #tpu.memory_space<semaphore_mem>>
      %dma_start3A_475 = tpu.memref_squeeze %dma_start3A_474 : memref<1x!tpu.dma_semaphore, #tpu.memory_space<semaphore_mem>> -> memref<!tpu.dma_semaphore, #tpu.memory_space<semaphore_mem>>
      tpu.enqueue_indirect_dma source(%dma_start3A_467 : memref<80x128xf32, #tpu.memory_space<vmem>>) target(%dma_start3A_473 : memref<4096x128xf32, #tpu.memory_space<vmem_shared>>) offsets(%dma_start3A_470 : memref<80xi32, #tpu.memory_space<vmem>>) semaphore(%dma_start3A_475 : memref<!tpu.dma_semaphore, #tpu.memory_space<semaphore_mem>>) {add = true}
      %add3A_476 = arith.constant 2 : i32
      %add3A_477 = arith.addi %add3A_215, %add3A_476 : i32
      %add3A_478 = arith.constant 2 : i32
      %add3A_479 = arith.addi %add3A_477, %add3A_478 : i32
      %lt3A_480 = arith.constant 156 : i32
      %lt3A_481 = arith.cmpi slt, %add3A_479, %lt3A_480 : i32
      %convert_element_type3A_482 = arith.extui %lt3A_481 : i1 to i32
      %cond3A_483 = arith.constant 0 : i32
      %cond3A_484 = arith.cmpi ne, %convert_element_type3A_482, %cond3A_483 : i32
      scf.if %cond3A_484 {
        %sub3A_738 = arith.constant 2 : i32
        %sub3A_739 = arith.subi %add3A_477, %sub3A_738 : i32
        %ge3A = arith.constant 0 : i32
        %ge3A_740 = arith.cmpi sge, %sub3A_739, %ge3A : i32
        %convert_element_type3A_741 = arith.extui %ge3A_740 : i1 to i32
        %cond3A_742 = arith.constant 0 : i32
        %cond3A_743 = arith.cmpi ne, %convert_element_type3A_741, %cond3A_742 : i32
        scf.if %cond3A_743 {
          %dma_wait3A_779 = arith.constant 0 : i32
          %dma_wait3A_780 = arith.constant 0 : i32
          %dma_wait3A_781 = arith.constant 0 : i32
          %dma_wait3A_782 = arith.constant 0 : i32
          %dma_wait3A_783 = arith.constant 0 : i32
          %dma_wait3A_784 = tpu.memref_slice %arg7[%dma_wait3A_779, %dma_wait3A_782, %dma_wait3A_783] : memref<4x80x128xf32, #tpu.memory_space<vmem>> -> memref<1x80x128xf32, #tpu.memory_space<vmem>>
          %dma_wait3A_785 = tpu.memref_squeeze %dma_wait3A_784 : memref<1x80x128xf32, #tpu.memory_space<vmem>> -> memref<80x128xf32, #tpu.memory_space<vmem>>
          %dma_wait3A_786 = arith.constant 0 : i32
          %dma_wait3A_787 = tpu.memref_slice %arg6[%dma_wait3A_780, %dma_wait3A_786] : memref<4x80xi32, #tpu.memory_space<vmem>> -> memref<1x80xi32, #tpu.memory_space<vmem>>
          %dma_wait3A_788 = tpu.memref_squeeze %dma_wait3A_787 : memref<1x80xi32, #tpu.memory_space<vmem>> -> memref<80xi32, #tpu.memory_space<vmem>>
          %dma_wait3A_789 = arith.constant 0 : i32
          %dma_wait3A_790 = arith.constant 0 : i32
          %dma_wait3A_791 = tpu.memref_slice %arg8[%dma_wait3A_789, %dma_wait3A_790] : memref<4096x128xf32, #tpu.memory_space<vmem_shared>> -> memref<4096x128xf32, #tpu.memory_space<vmem_shared>>
          %dma_wait3A_792 = tpu.memref_slice %arg11[%dma_wait3A_781] : memref<4x!tpu.dma_semaphore, #tpu.memory_space<semaphore_mem>> -> memref<1x!tpu.dma_semaphore, #tpu.memory_space<semaphore_mem>>
          %dma_wait3A_793 = tpu.memref_squeeze %dma_wait3A_792 : memref<1x!tpu.dma_semaphore, #tpu.memory_space<semaphore_mem>> -> memref<!tpu.dma_semaphore, #tpu.memory_space<semaphore_mem>>
          tpu.wait_indirect_dma semaphore(%dma_wait3A_793 : memref<!tpu.dma_semaphore, #tpu.memory_space<semaphore_mem>>) src(%dma_wait3A_785 : memref<80x128xf32, #tpu.memory_space<vmem>>) dst(%dma_wait3A_791 : memref<4096x128xf32, #tpu.memory_space<vmem_shared>>)
        } else {
        }
        %add3A_744 = arith.constant 2 : i32
        %add3A_745 = arith.addi %add3A_477, %add3A_744 : i32
        %mul3A_746 = arith.constant 8 : i32
        %mul3A_747 = arith.muli %add3A_745, %mul3A_746 : i32
        %add3A_748 = arith.addi %add3A_30, %mul3A_747 : i32
        %mul3A_749 = arith.constant 80 : i32
        %mul3A_750 = arith.muli %add3A_748, %mul3A_749 : i32
        %dma_start3A_751 = arith.constant 0 : i32
        %dma_start3A_752 = arith.constant 0 : i32
        %dma_start3A_753 = arith.constant 0 : i32
        %dma_start3A_754 = tpu.memref_slice %arg6[%dma_start3A_751, %dma_start3A_753] : memref<4x80xi32, #tpu.memory_space<vmem>> -> memref<1x80xi32, #tpu.memory_space<vmem>>
        %dma_start3A_755 = tpu.memref_squeeze %dma_start3A_754 : memref<1x80xi32, #tpu.memory_space<vmem>> -> memref<80xi32, #tpu.memory_space<vmem>>
        %dma_start3A_756 = tpu.memref_slice %arg3[%mul3A_750] : memref<100000xi32, #tpu.memory_space<hbm>> -> memref<80xi32, #tpu.memory_space<hbm>>
        %dma_start3A_757 = tpu.memref_slice %arg9[%dma_start3A_752] : memref<4x!tpu.dma_semaphore, #tpu.memory_space<semaphore_mem>> -> memref<1x!tpu.dma_semaphore, #tpu.memory_space<semaphore_mem>>
        %dma_start3A_758 = tpu.memref_squeeze %dma_start3A_757 : memref<1x!tpu.dma_semaphore, #tpu.memory_space<semaphore_mem>> -> memref<!tpu.dma_semaphore, #tpu.memory_space<semaphore_mem>>
        %dma_start3A_759 = arith.constant 0 : i32
        %dma_start3A_760 = tpu.memref_slice %arg6[%dma_start3A_751, %dma_start3A_759] : memref<4x80xi32, #tpu.memory_space<vmem>> -> memref<1x80xi32, #tpu.memory_space<vmem>>
        %dma_start3A_761 = tpu.memref_squeeze %dma_start3A_760 : memref<1x80xi32, #tpu.memory_space<vmem>> -> memref<80xi32, #tpu.memory_space<vmem>>
        %dma_start3A_762 = tpu.memref_slice %arg3[%mul3A_750] : memref<100000xi32, #tpu.memory_space<hbm>> -> memref<80xi32, #tpu.memory_space<hbm>>
        tpu.enqueue_dma source(%dma_start3A_762 : memref<80xi32, #tpu.memory_space<hbm>>) target(%dma_start3A_761 : memref<80xi32, #tpu.memory_space<vmem>>) target_semaphore(%dma_start3A_758 : memref<!tpu.dma_semaphore, #tpu.memory_space<semaphore_mem>>)
        %mul3A_763 = arith.constant 128 : i32
        %mul3A_764 = arith.muli %select_n3A_7, %mul3A_763 : i32
        %dma_start3A_765 = arith.constant 0 : i32
        %dma_start3A_766 = arith.constant 0 : i32
        %dma_start3A_767 = arith.constant 0 : i32
        %dma_start3A_768 = arith.constant 0 : i32
        %dma_start3A_769 = tpu.memref_slice %arg7[%dma_start3A_765, %dma_start3A_767, %dma_start3A_768] : memref<4x80x128xf32, #tpu.memory_space<vmem>> -> memref<1x80x128xf32, #tpu.memory_space<vmem>>
        %dma_start3A_770 = tpu.memref_squeeze %dma_start3A_769 : memref<1x80x128xf32, #tpu.memory_space<vmem>> -> memref<80x128xf32, #tpu.memory_space<vmem>>
        %dma_start3A_771 = tpu.memref_slice %arg2[%mul3A_750, %mul3A_764] : memref<100000x512xf32, #tpu.memory_space<hbm>> -> memref<80x128xf32, #tpu.memory_space<hbm>>
        %dma_start3A_772 = tpu.memref_slice %arg10[%dma_start3A_766] : memref<4x!tpu.dma_semaphore, #tpu.memory_space<semaphore_mem>> -> memref<1x!tpu.dma_semaphore, #tpu.memory_space<semaphore_mem>>
        %dma_start3A_773 = tpu.memref_squeeze %dma_start3A_772 : memref<1x!tpu.dma_semaphore, #tpu.memory_space<semaphore_mem>> -> memref<!tpu.dma_semaphore, #tpu.memory_space<semaphore_mem>>
        %dma_start3A_774 = arith.constant 0 : i32
        %dma_start3A_775 = arith.constant 0 : i32
        %dma_start3A_776 = tpu.memref_slice %arg7[%dma_start3A_765, %dma_start3A_774, %dma_start3A_775] : memref<4x80x128xf32, #tpu.memory_space<vmem>> -> memref<1x80x128xf32, #tpu.memory_space<vmem>>
        %dma_start3A_777 = tpu.memref_squeeze %dma_start3A_776 : memref<1x80x128xf32, #tpu.memory_space<vmem>> -> memref<80x128xf32, #tpu.memory_space<vmem>>
        %dma_start3A_778 = tpu.memref_slice %arg2[%mul3A_750, %mul3A_764] : memref<100000x512xf32, #tpu.memory_space<hbm>> -> memref<80x128xf32, #tpu.memory_space<hbm>>
        tpu.enqueue_dma source(%dma_start3A_778 : memref<80x128xf32, #tpu.memory_space<hbm>>) target(%dma_start3A_777 : memref<80x128xf32, #tpu.memory_space<vmem>>) target_semaphore(%dma_start3A_773 : memref<!tpu.dma_semaphore, #tpu.memory_space<semaphore_mem>>)
      } else {
      }
      %dma_wait3A_485 = arith.constant 2 : i32
      %dma_wait3A_486 = arith.constant 2 : i32
      %dma_wait3A_487 = arith.constant 0 : i32
      %dma_wait3A_488 = tpu.memref_slice %arg6[%dma_wait3A_485, %dma_wait3A_487] : memref<4x80xi32, #tpu.memory_space<vmem>> -> memref<1x80xi32, #tpu.memory_space<vmem>>
      %dma_wait3A_489 = tpu.memref_squeeze %dma_wait3A_488 : memref<1x80xi32, #tpu.memory_space<vmem>> -> memref<80xi32, #tpu.memory_space<vmem>>
      %dma_wait3A_490 = arith.constant 0 : i32
      %dma_wait3A_491 = tpu.memref_slice %arg3[%dma_wait3A_490] : memref<100000xi32, #tpu.memory_space<hbm>> -> memref<80xi32, #tpu.memory_space<hbm>>
      %dma_wait3A_492 = tpu.memref_slice %arg9[%dma_wait3A_486] : memref<4x!tpu.dma_semaphore, #tpu.memory_space<semaphore_mem>> -> memref<1x!tpu.dma_semaphore, #tpu.memory_space<semaphore_mem>>
      %dma_wait3A_493 = tpu.memref_squeeze %dma_wait3A_492 : memref<1x!tpu.dma_semaphore, #tpu.memory_space<semaphore_mem>> -> memref<!tpu.dma_semaphore, #tpu.memory_space<semaphore_mem>>
      %dma_wait3A_494 = arith.constant 0 : i32
      %dma_wait3A_495 = tpu.memref_slice %arg6[%dma_wait3A_485, %dma_wait3A_494] : memref<4x80xi32, #tpu.memory_space<vmem>> -> memref<1x80xi32, #tpu.memory_space<vmem>>
      %dma_wait3A_496 = tpu.memref_squeeze %dma_wait3A_495 : memref<1x80xi32, #tpu.memory_space<vmem>> -> memref<80xi32, #tpu.memory_space<vmem>>
      %dma_wait3A_497 = arith.constant 0 : i32
      %dma_wait3A_498 = tpu.memref_slice %arg3[%dma_wait3A_497] : memref<100000xi32, #tpu.memory_space<hbm>> -> memref<80xi32, #tpu.memory_space<hbm>>
      tpu.wait_dma2 semaphore(%dma_wait3A_493 : memref<!tpu.dma_semaphore, #tpu.memory_space<semaphore_mem>>) src(%dma_wait3A_498 : memref<80xi32, #tpu.memory_space<hbm>>) dst(%dma_wait3A_496 : memref<80xi32, #tpu.memory_space<vmem>>)
      %dma_wait3A_499 = arith.constant 2 : i32
      %dma_wait3A_500 = arith.constant 2 : i32
      %dma_wait3A_501 = arith.constant 0 : i32
      %dma_wait3A_502 = arith.constant 0 : i32
      %dma_wait3A_503 = tpu.memref_slice %arg7[%dma_wait3A_499, %dma_wait3A_501, %dma_wait3A_502] : memref<4x80x128xf32, #tpu.memory_space<vmem>> -> memref<1x80x128xf32, #tpu.memory_space<vmem>>
      %dma_wait3A_504 = tpu.memref_squeeze %dma_wait3A_503 : memref<1x80x128xf32, #tpu.memory_space<vmem>> -> memref<80x128xf32, #tpu.memory_space<vmem>>
      %dma_wait3A_505 = arith.constant 0 : i32
      %dma_wait3A_506 = arith.constant 0 : i32
      %dma_wait3A_507 = tpu.memref_slice %arg2[%dma_wait3A_505, %dma_wait3A_506] : memref<100000x512xf32, #tpu.memory_space<hbm>> -> memref<80x128xf32, #tpu.memory_space<hbm>>
      %dma_wait3A_508 = tpu.memref_slice %arg10[%dma_wait3A_500] : memref<4x!tpu.dma_semaphore, #tpu.memory_space<semaphore_mem>> -> memref<1x!tpu.dma_semaphore, #tpu.memory_space<semaphore_mem>>
      %dma_wait3A_509 = tpu.memref_squeeze %dma_wait3A_508 : memref<1x!tpu.dma_semaphore, #tpu.memory_space<semaphore_mem>> -> memref<!tpu.dma_semaphore, #tpu.memory_space<semaphore_mem>>
      %dma_wait3A_510 = arith.constant 0 : i32
      %dma_wait3A_511 = arith.constant 0 : i32
      %dma_wait3A_512 = tpu.memref_slice %arg7[%dma_wait3A_499, %dma_wait3A_510, %dma_wait3A_511] : memref<4x80x128xf32, #tpu.memory_space<vmem>> -> memref<1x80x128xf32, #tpu.memory_space<vmem>>
      %dma_wait3A_513 = tpu.memref_squeeze %dma_wait3A_512 : memref<1x80x128xf32, #tpu.memory_space<vmem>> -> memref<80x128xf32, #tpu.memory_space<vmem>>
      %dma_wait3A_514 = arith.constant 0 : i32
      %dma_wait3A_515 = arith.constant 0 : i32
      %dma_wait3A_516 = tpu.memref_slice %arg2[%dma_wait3A_514, %dma_wait3A_515] : memref<100000x512xf32, #tpu.memory_space<hbm>> -> memref<80x128xf32, #tpu.memory_space<hbm>>
      tpu.wait_dma2 semaphore(%dma_wait3A_509 : memref<!tpu.dma_semaphore, #tpu.memory_space<semaphore_mem>>) src(%dma_wait3A_516 : memref<80x128xf32, #tpu.memory_space<hbm>>) dst(%dma_wait3A_513 : memref<80x128xf32, #tpu.memory_space<vmem>>)
      %get3A_517 = arith.constant 2 : i32
      %get3A_518 = arith.index_cast %get3A_517 : i32 to index
      %get3A_519 = arith.constant 0 : index
      %get3A_520 = tpu.vector_load %arg6[%get3A_518, %get3A_519] {strides = array<i32>} : memref<4x80xi32, #tpu.memory_space<vmem>>, vector<1x16xi32>,
      %get3A_521 = vector.shape_cast %get3A_520 : vector<1x16xi32> to vector<16xi32>
      %mul3A_522 = arith.constant 1024 : i32
      %mul3A_523 = arith.muli %select_n3A_7, %mul3A_522 : i32
      %add3A_524 = vector.broadcast %mul3A_523 : i32 to vector<16xi32>
      %add3A_525 = arith.addi %get3A_521, %add3A_524 : vector<16xi32>
      %swap3A_526 = arith.constant 2 : i32
      %swap3A_527 = arith.index_cast %swap3A_526 : i32 to index
      %swap3A_528 = arith.constant 0 : index
      %swap3A_529 = tpu.vector_load %arg6[%swap3A_527, %swap3A_528] {strides = array<i32>} : memref<4x80xi32, #tpu.memory_space<vmem>>, vector<1x16xi32>,
      %swap3A_530 = vector.shape_cast %swap3A_529 : vector<1x16xi32> to vector<16xi32>
      %swap3A_531 = vector.shape_cast %add3A_525 : vector<16xi32> to vector<1x16xi32>
      tpu.vector_store %arg6[%swap3A_527, %swap3A_528], %swap3A_531 {strides = array<i32>} : memref<4x80xi32, #tpu.memory_space<vmem>>, vector<1x16xi32>,
      %get3A_532 = arith.constant 2 : i32
      %get3A_533 = arith.index_cast %get3A_532 : i32 to index
      %get3A_534 = arith.constant 16 : index
      %get3A_535 = tpu.vector_load %arg6[%get3A_533, %get3A_534] {strides = array<i32>} : memref<4x80xi32, #tpu.memory_space<vmem>>, vector<1x16xi32>,
      %get3A_536 = vector.shape_cast %get3A_535 : vector<1x16xi32> to vector<16xi32>
      %mul3A_537 = arith.constant 1024 : i32
      %mul3A_538 = arith.muli %select_n3A_7, %mul3A_537 : i32
      %add3A_539 = vector.broadcast %mul3A_538 : i32 to vector<16xi32>
      %add3A_540 = arith.addi %get3A_536, %add3A_539 : vector<16xi32>
      %swap3A_541 = arith.constant 2 : i32
      %swap3A_542 = arith.index_cast %swap3A_541 : i32 to index
      %swap3A_543 = arith.constant 16 : index
      %swap3A_544 = tpu.vector_load %arg6[%swap3A_542, %swap3A_543] {strides = array<i32>} : memref<4x80xi32, #tpu.memory_space<vmem>>, vector<1x16xi32>,
      %swap3A_545 = vector.shape_cast %swap3A_544 : vector<1x16xi32> to vector<16xi32>
      %swap3A_546 = vector.shape_cast %add3A_540 : vector<16xi32> to vector<1x16xi32>
      tpu.vector_store %arg6[%swap3A_542, %swap3A_543], %swap3A_546 {strides = array<i32>} : memref<4x80xi32, #tpu.memory_space<vmem>>, vector<1x16xi32>,
      %get3A_547 = arith.constant 2 : i32
      %get3A_548 = arith.index_cast %get3A_547 : i32 to index
      %get3A_549 = arith.constant 32 : index
      %get3A_550 = tpu.vector_load %arg6[%get3A_548, %get3A_549] {strides = array<i32>} : memref<4x80xi32, #tpu.memory_space<vmem>>, vector<1x16xi32>,
      %get3A_551 = vector.shape_cast %get3A_550 : vector<1x16xi32> to vector<16xi32>
      %mul3A_552 = arith.constant 1024 : i32
      %mul3A_553 = arith.muli %select_n3A_7, %mul3A_552 : i32
      %add3A_554 = vector.broadcast %mul3A_553 : i32 to vector<16xi32>
      %add3A_555 = arith.addi %get3A_551, %add3A_554 : vector<16xi32>
      %swap3A_556 = arith.constant 2 : i32
      %swap3A_557 = arith.index_cast %swap3A_556 : i32 to index
      %swap3A_558 = arith.constant 32 : index
      %swap3A_559 = tpu.vector_load %arg6[%swap3A_557, %swap3A_558] {strides = array<i32>} : memref<4x80xi32, #tpu.memory_space<vmem>>, vector<1x16xi32>,
      %swap3A_560 = vector.shape_cast %swap3A_559 : vector<1x16xi32> to vector<16xi32>
      %swap3A_561 = vector.shape_cast %add3A_555 : vector<16xi32> to vector<1x16xi32>
      tpu.vector_store %arg6[%swap3A_557, %swap3A_558], %swap3A_561 {strides = array<i32>} : memref<4x80xi32, #tpu.memory_space<vmem>>, vector<1x16xi32>,
      %get3A_562 = arith.constant 2 : i32
      %get3A_563 = arith.index_cast %get3A_562 : i32 to index
      %get3A_564 = arith.constant 48 : index
      %get3A_565 = tpu.vector_load %arg6[%get3A_563, %get3A_564] {strides = array<i32>} : memref<4x80xi32, #tpu.memory_space<vmem>>, vector<1x16xi32>,
      %get3A_566 = vector.shape_cast %get3A_565 : vector<1x16xi32> to vector<16xi32>
      %mul3A_567 = arith.constant 1024 : i32
      %mul3A_568 = arith.muli %select_n3A_7, %mul3A_567 : i32
      %add3A_569 = vector.broadcast %mul3A_568 : i32 to vector<16xi32>
      %add3A_570 = arith.addi %get3A_566, %add3A_569 : vector<16xi32>
      %swap3A_571 = arith.constant 2 : i32
      %swap3A_572 = arith.index_cast %swap3A_571 : i32 to index
      %swap3A_573 = arith.constant 48 : index
      %swap3A_574 = tpu.vector_load %arg6[%swap3A_572, %swap3A_573] {strides = array<i32>} : memref<4x80xi32, #tpu.memory_space<vmem>>, vector<1x16xi32>,
      %swap3A_575 = vector.shape_cast %swap3A_574 : vector<1x16xi32> to vector<16xi32>
      %swap3A_576 = vector.shape_cast %add3A_570 : vector<16xi32> to vector<1x16xi32>
      tpu.vector_store %arg6[%swap3A_572, %swap3A_573], %swap3A_576 {strides = array<i32>} : memref<4x80xi32, #tpu.memory_space<vmem>>, vector<1x16xi32>,
      %get3A_577 = arith.constant 2 : i32
      %get3A_578 = arith.index_cast %get3A_577 : i32 to index
      %get3A_579 = arith.constant 64 : index
      %get3A_580 = tpu.vector_load %arg6[%get3A_578, %get3A_579] {strides = array<i32>} : memref<4x80xi32, #tpu.memory_space<vmem>>, vector<1x16xi32>,
      %get3A_581 = vector.shape_cast %get3A_580 : vector<1x16xi32> to vector<16xi32>
      %mul3A_582 = arith.constant 1024 : i32
      %mul3A_583 = arith.muli %select_n3A_7, %mul3A_582 : i32
      %add3A_584 = vector.broadcast %mul3A_583 : i32 to vector<16xi32>
      %add3A_585 = arith.addi %get3A_581, %add3A_584 : vector<16xi32>
      %swap3A_586 = arith.constant 2 : i32
      %swap3A_587 = arith.index_cast %swap3A_586 : i32 to index
      %swap3A_588 = arith.constant 64 : index
      %swap3A_589 = tpu.vector_load %arg6[%swap3A_587, %swap3A_588] {strides = array<i32>} : memref<4x80xi32, #tpu.memory_space<vmem>>, vector<1x16xi32>,
      %swap3A_590 = vector.shape_cast %swap3A_589 : vector<1x16xi32> to vector<16xi32>
      %swap3A_591 = vector.shape_cast %add3A_585 : vector<16xi32> to vector<1x16xi32>
      tpu.vector_store %arg6[%swap3A_587, %swap3A_588], %swap3A_591 {strides = array<i32>} : memref<4x80xi32, #tpu.memory_space<vmem>>, vector<1x16xi32>,
      %dma_start3A_592 = arith.constant 2 : i32
      %dma_start3A_593 = arith.constant 2 : i32
      %dma_start3A_594 = arith.constant 2 : i32
      %dma_start3A_595 = arith.constant 0 : i32
      %dma_start3A_596 = arith.constant 0 : i32
      %dma_start3A_597 = tpu.memref_slice %arg7[%dma_start3A_592, %dma_start3A_595, %dma_start3A_596] : memref<4x80x128xf32, #tpu.memory_space<vmem>> -> memref<1x80x128xf32, #tpu.memory_space<vmem>>
      %dma_start3A_598 = tpu.memref_squeeze %dma_start3A_597 : memref<1x80x128xf32, #tpu.memory_space<vmem>> -> memref<80x128xf32, #tpu.memory_space<vmem>>
      %dma_start3A_599 = arith.constant 0 : i32
      %dma_start3A_600 = tpu.memref_slice %arg6[%dma_start3A_593, %dma_start3A_599] : memref<4x80xi32, #tpu.memory_space<vmem>> -> memref<1x80xi32, #tpu.memory_space<vmem>>
      %dma_start3A_601 = tpu.memref_squeeze %dma_start3A_600 : memref<1x80xi32, #tpu.memory_space<vmem>> -> memref<80xi32, #tpu.memory_space<vmem>>
      %dma_start3A_602 = arith.constant 0 : i32
      %dma_start3A_603 = arith.constant 0 : i32
      %dma_start3A_604 = tpu.memref_slice %arg8[%dma_start3A_602, %dma_start3A_603] : memref<4096x128xf32, #tpu.memory_space<vmem_shared>> -> memref<4096x128xf32, #tpu.memory_space<vmem_shared>>
      %dma_start3A_605 = tpu.memref_slice %arg11[%dma_start3A_594] : memref<4x!tpu.dma_semaphore, #tpu.memory_space<semaphore_mem>> -> memref<1x!tpu.dma_semaphore, #tpu.memory_space<semaphore_mem>>
      %dma_start3A_606 = tpu.memref_squeeze %dma_start3A_605 : memref<1x!tpu.dma_semaphore, #tpu.memory_space<semaphore_mem>> -> memref<!tpu.dma_semaphore, #tpu.memory_space<semaphore_mem>>
      tpu.enqueue_indirect_dma source(%dma_start3A_598 : memref<80x128xf32, #tpu.memory_space<vmem>>) target(%dma_start3A_604 : memref<4096x128xf32, #tpu.memory_space<vmem_shared>>) offsets(%dma_start3A_601 : memref<80xi32, #tpu.memory_space<vmem>>) semaphore(%dma_start3A_606 : memref<!tpu.dma_semaphore, #tpu.memory_space<semaphore_mem>>) {add = true}
      %add3A_607 = arith.constant 3 : i32
      %add3A_608 = arith.addi %add3A_215, %add3A_607 : i32
      %add3A_609 = arith.constant 2 : i32
      %add3A_610 = arith.addi %add3A_608, %add3A_609 : i32
      %lt3A_611 = arith.constant 156 : i32
      %lt3A_612 = arith.cmpi slt, %add3A_610, %lt3A_611 : i32
      %convert_element_type3A_613 = arith.extui %lt3A_612 : i1 to i32
      %cond3A_614 = arith.constant 0 : i32
      %cond3A_615 = arith.cmpi ne, %convert_element_type3A_613, %cond3A_614 : i32
      scf.if %cond3A_615 {
        %sub3A_738 = arith.constant 2 : i32
        %sub3A_739 = arith.subi %add3A_608, %sub3A_738 : i32
        %ge3A = arith.constant 0 : i32
        %ge3A_740 = arith.cmpi sge, %sub3A_739, %ge3A : i32
        %convert_element_type3A_741 = arith.extui %ge3A_740 : i1 to i32
        %cond3A_742 = arith.constant 0 : i32
        %cond3A_743 = arith.cmpi ne, %convert_element_type3A_741, %cond3A_742 : i32
        scf.if %cond3A_743 {
          %dma_wait3A_779 = arith.constant 1 : i32
          %dma_wait3A_780 = arith.constant 1 : i32
          %dma_wait3A_781 = arith.constant 1 : i32
          %dma_wait3A_782 = arith.constant 0 : i32
          %dma_wait3A_783 = arith.constant 0 : i32
          %dma_wait3A_784 = tpu.memref_slice %arg7[%dma_wait3A_779, %dma_wait3A_782, %dma_wait3A_783] : memref<4x80x128xf32, #tpu.memory_space<vmem>> -> memref<1x80x128xf32, #tpu.memory_space<vmem>>
          %dma_wait3A_785 = tpu.memref_squeeze %dma_wait3A_784 : memref<1x80x128xf32, #tpu.memory_space<vmem>> -> memref<80x128xf32, #tpu.memory_space<vmem>>
          %dma_wait3A_786 = arith.constant 0 : i32
          %dma_wait3A_787 = tpu.memref_slice %arg6[%dma_wait3A_780, %dma_wait3A_786] : memref<4x80xi32, #tpu.memory_space<vmem>> -> memref<1x80xi32, #tpu.memory_space<vmem>>
          %dma_wait3A_788 = tpu.memref_squeeze %dma_wait3A_787 : memref<1x80xi32, #tpu.memory_space<vmem>> -> memref<80xi32, #tpu.memory_space<vmem>>
          %dma_wait3A_789 = arith.constant 0 : i32
          %dma_wait3A_790 = arith.constant 0 : i32
          %dma_wait3A_791 = tpu.memref_slice %arg8[%dma_wait3A_789, %dma_wait3A_790] : memref<4096x128xf32, #tpu.memory_space<vmem_shared>> -> memref<4096x128xf32, #tpu.memory_space<vmem_shared>>
          %dma_wait3A_792 = tpu.memref_slice %arg11[%dma_wait3A_781] : memref<4x!tpu.dma_semaphore, #tpu.memory_space<semaphore_mem>> -> memref<1x!tpu.dma_semaphore, #tpu.memory_space<semaphore_mem>>
          %dma_wait3A_793 = tpu.memref_squeeze %dma_wait3A_792 : memref<1x!tpu.dma_semaphore, #tpu.memory_space<semaphore_mem>> -> memref<!tpu.dma_semaphore, #tpu.memory_space<semaphore_mem>>
          tpu.wait_indirect_dma semaphore(%dma_wait3A_793 : memref<!tpu.dma_semaphore, #tpu.memory_space<semaphore_mem>>) src(%dma_wait3A_785 : memref<80x128xf32, #tpu.memory_space<vmem>>) dst(%dma_wait3A_791 : memref<4096x128xf32, #tpu.memory_space<vmem_shared>>)
        } else {
        }
        %add3A_744 = arith.constant 2 : i32
        %add3A_745 = arith.addi %add3A_608, %add3A_744 : i32
        %mul3A_746 = arith.constant 8 : i32
        %mul3A_747 = arith.muli %add3A_745, %mul3A_746 : i32
        %add3A_748 = arith.addi %add3A_30, %mul3A_747 : i32
        %mul3A_749 = arith.constant 80 : i32
        %mul3A_750 = arith.muli %add3A_748, %mul3A_749 : i32
        %dma_start3A_751 = arith.constant 1 : i32
        %dma_start3A_752 = arith.constant 1 : i32
        %dma_start3A_753 = arith.constant 0 : i32
        %dma_start3A_754 = tpu.memref_slice %arg6[%dma_start3A_751, %dma_start3A_753] : memref<4x80xi32, #tpu.memory_space<vmem>> -> memref<1x80xi32, #tpu.memory_space<vmem>>
        %dma_start3A_755 = tpu.memref_squeeze %dma_start3A_754 : memref<1x80xi32, #tpu.memory_space<vmem>> -> memref<80xi32, #tpu.memory_space<vmem>>
        %dma_start3A_756 = tpu.memref_slice %arg3[%mul3A_750] : memref<100000xi32, #tpu.memory_space<hbm>> -> memref<80xi32, #tpu.memory_space<hbm>>
        %dma_start3A_757 = tpu.memref_slice %arg9[%dma_start3A_752] : memref<4x!tpu.dma_semaphore, #tpu.memory_space<semaphore_mem>> -> memref<1x!tpu.dma_semaphore, #tpu.memory_space<semaphore_mem>>
        %dma_start3A_758 = tpu.memref_squeeze %dma_start3A_757 : memref<1x!tpu.dma_semaphore, #tpu.memory_space<semaphore_mem>> -> memref<!tpu.dma_semaphore, #tpu.memory_space<semaphore_mem>>
        %dma_start3A_759 = arith.constant 0 : i32
        %dma_start3A_760 = tpu.memref_slice %arg6[%dma_start3A_751, %dma_start3A_759] : memref<4x80xi32, #tpu.memory_space<vmem>> -> memref<1x80xi32, #tpu.memory_space<vmem>>
        %dma_start3A_761 = tpu.memref_squeeze %dma_start3A_760 : memref<1x80xi32, #tpu.memory_space<vmem>> -> memref<80xi32, #tpu.memory_space<vmem>>
        %dma_start3A_762 = tpu.memref_slice %arg3[%mul3A_750] : memref<100000xi32, #tpu.memory_space<hbm>> -> memref<80xi32, #tpu.memory_space<hbm>>
        tpu.enqueue_dma source(%dma_start3A_762 : memref<80xi32, #tpu.memory_space<hbm>>) target(%dma_start3A_761 : memref<80xi32, #tpu.memory_space<vmem>>) target_semaphore(%dma_start3A_758 : memref<!tpu.dma_semaphore, #tpu.memory_space<semaphore_mem>>)
        %mul3A_763 = arith.constant 128 : i32
        %mul3A_764 = arith.muli %select_n3A_7, %mul3A_763 : i32
        %dma_start3A_765 = arith.constant 1 : i32
        %dma_start3A_766 = arith.constant 1 : i32
        %dma_start3A_767 = arith.constant 0 : i32
        %dma_start3A_768 = arith.constant 0 : i32
        %dma_start3A_769 = tpu.memref_slice %arg7[%dma_start3A_765, %dma_start3A_767, %dma_start3A_768] : memref<4x80x128xf32, #tpu.memory_space<vmem>> -> memref<1x80x128xf32, #tpu.memory_space<vmem>>
        %dma_start3A_770 = tpu.memref_squeeze %dma_start3A_769 : memref<1x80x128xf32, #tpu.memory_space<vmem>> -> memref<80x128xf32, #tpu.memory_space<vmem>>
        %dma_start3A_771 = tpu.memref_slice %arg2[%mul3A_750, %mul3A_764] : memref<100000x512xf32, #tpu.memory_space<hbm>> -> memref<80x128xf32, #tpu.memory_space<hbm>>
        %dma_start3A_772 = tpu.memref_slice %arg10[%dma_start3A_766] : memref<4x!tpu.dma_semaphore, #tpu.memory_space<semaphore_mem>> -> memref<1x!tpu.dma_semaphore, #tpu.memory_space<semaphore_mem>>
        %dma_start3A_773 = tpu.memref_squeeze %dma_start3A_772 : memref<1x!tpu.dma_semaphore, #tpu.memory_space<semaphore_mem>> -> memref<!tpu.dma_semaphore, #tpu.memory_space<semaphore_mem>>
        %dma_start3A_774 = arith.constant 0 : i32
        %dma_start3A_775 = arith.constant 0 : i32
        %dma_start3A_776 = tpu.memref_slice %arg7[%dma_start3A_765, %dma_start3A_774, %dma_start3A_775] : memref<4x80x128xf32, #tpu.memory_space<vmem>> -> memref<1x80x128xf32, #tpu.memory_space<vmem>>
        %dma_start3A_777 = tpu.memref_squeeze %dma_start3A_776 : memref<1x80x128xf32, #tpu.memory_space<vmem>> -> memref<80x128xf32, #tpu.memory_space<vmem>>
        %dma_start3A_778 = tpu.memref_slice %arg2[%mul3A_750, %mul3A_764] : memref<100000x512xf32, #tpu.memory_space<hbm>> -> memref<80x128xf32, #tpu.memory_space<hbm>>
        tpu.enqueue_dma source(%dma_start3A_778 : memref<80x128xf32, #tpu.memory_space<hbm>>) target(%dma_start3A_777 : memref<80x128xf32, #tpu.memory_space<vmem>>) target_semaphore(%dma_start3A_773 : memref<!tpu.dma_semaphore, #tpu.memory_space<semaphore_mem>>)
      } else {
      }
      %dma_wait3A_616 = arith.constant 3 : i32
      %dma_wait3A_617 = arith.constant 3 : i32
      %dma_wait3A_618 = arith.constant 0 : i32
      %dma_wait3A_619 = tpu.memref_slice %arg6[%dma_wait3A_616, %dma_wait3A_618] : memref<4x80xi32, #tpu.memory_space<vmem>> -> memref<1x80xi32, #tpu.memory_space<vmem>>
      %dma_wait3A_620 = tpu.memref_squeeze %dma_wait3A_619 : memref<1x80xi32, #tpu.memory_space<vmem>> -> memref<80xi32, #tpu.memory_space<vmem>>
      %dma_wait3A_621 = arith.constant 0 : i32
      %dma_wait3A_622 = tpu.memref_slice %arg3[%dma_wait3A_621] : memref<100000xi32, #tpu.memory_space<hbm>> -> memref<80xi32, #tpu.memory_space<hbm>>
      %dma_wait3A_623 = tpu.memref_slice %arg9[%dma_wait3A_617] : memref<4x!tpu.dma_semaphore, #tpu.memory_space<semaphore_mem>> -> memref<1x!tpu.dma_semaphore, #tpu.memory_space<semaphore_mem>>
      %dma_wait3A_624 = tpu.memref_squeeze %dma_wait3A_623 : memref<1x!tpu.dma_semaphore, #tpu.memory_space<semaphore_mem>> -> memref<!tpu.dma_semaphore, #tpu.memory_space<semaphore_mem>>
      %dma_wait3A_625 = arith.constant 0 : i32
      %dma_wait3A_626 = tpu.memref_slice %arg6[%dma_wait3A_616, %dma_wait3A_625] : memref<4x80xi32, #tpu.memory_space<vmem>> -> memref<1x80xi32, #tpu.memory_space<vmem>>
      %dma_wait3A_627 = tpu.memref_squeeze %dma_wait3A_626 : memref<1x80xi32, #tpu.memory_space<vmem>> -> memref<80xi32, #tpu.memory_space<vmem>>
      %dma_wait3A_628 = arith.constant 0 : i32
      %dma_wait3A_629 = tpu.memref_slice %arg3[%dma_wait3A_628] : memref<100000xi32, #tpu.memory_space<hbm>> -> memref<80xi32, #tpu.memory_space<hbm>>
      tpu.wait_dma2 semaphore(%dma_wait3A_624 : memref<!tpu.dma_semaphore, #tpu.memory_space<semaphore_mem>>) src(%dma_wait3A_629 : memref<80xi32, #tpu.memory_space<hbm>>) dst(%dma_wait3A_627 : memref<80xi32, #tpu.memory_space<vmem>>)
      %dma_wait3A_630 = arith.constant 3 : i32
      %dma_wait3A_631 = arith.constant 3 : i32
      %dma_wait3A_632 = arith.constant 0 : i32
      %dma_wait3A_633 = arith.constant 0 : i32
      %dma_wait3A_634 = tpu.memref_slice %arg7[%dma_wait3A_630, %dma_wait3A_632, %dma_wait3A_633] : memref<4x80x128xf32, #tpu.memory_space<vmem>> -> memref<1x80x128xf32, #tpu.memory_space<vmem>>
      %dma_wait3A_635 = tpu.memref_squeeze %dma_wait3A_634 : memref<1x80x128xf32, #tpu.memory_space<vmem>> -> memref<80x128xf32, #tpu.memory_space<vmem>>
      %dma_wait3A_636 = arith.constant 0 : i32
      %dma_wait3A_637 = arith.constant 0 : i32
      %dma_wait3A_638 = tpu.memref_slice %arg2[%dma_wait3A_636, %dma_wait3A_637] : memref<100000x512xf32, #tpu.memory_space<hbm>> -> memref<80x128xf32, #tpu.memory_space<hbm>>
      %dma_wait3A_639 = tpu.memref_slice %arg10[%dma_wait3A_631] : memref<4x!tpu.dma_semaphore, #tpu.memory_space<semaphore_mem>> -> memref<1x!tpu.dma_semaphore, #tpu.memory_space<semaphore_mem>>
      %dma_wait3A_640 = tpu.memref_squeeze %dma_wait3A_639 : memref<1x!tpu.dma_semaphore, #tpu.memory_space<semaphore_mem>> -> memref<!tpu.dma_semaphore, #tpu.memory_space<semaphore_mem>>
      %dma_wait3A_641 = arith.constant 0 : i32
      %dma_wait3A_642 = arith.constant 0 : i32
      %dma_wait3A_643 = tpu.memref_slice %arg7[%dma_wait3A_630, %dma_wait3A_641, %dma_wait3A_642] : memref<4x80x128xf32, #tpu.memory_space<vmem>> -> memref<1x80x128xf32, #tpu.memory_space<vmem>>
      %dma_wait3A_644 = tpu.memref_squeeze %dma_wait3A_643 : memref<1x80x128xf32, #tpu.memory_space<vmem>> -> memref<80x128xf32, #tpu.memory_space<vmem>>
      %dma_wait3A_645 = arith.constant 0 : i32
      %dma_wait3A_646 = arith.constant 0 : i32
      %dma_wait3A_647 = tpu.memref_slice %arg2[%dma_wait3A_645, %dma_wait3A_646] : memref<100000x512xf32, #tpu.memory_space<hbm>> -> memref<80x128xf32, #tpu.memory_space<hbm>>
      tpu.wait_dma2 semaphore(%dma_wait3A_640 : memref<!tpu.dma_semaphore, #tpu.memory_space<semaphore_mem>>) src(%dma_wait3A_647 : memref<80x128xf32, #tpu.memory_space<hbm>>) dst(%dma_wait3A_644 : memref<80x128xf32, #tpu.memory_space<vmem>>)
      %get3A_648 = arith.constant 3 : i32
      %get3A_649 = arith.index_cast %get3A_648 : i32 to index
      %get3A_650 = arith.constant 0 : index
      %get3A_651 = tpu.vector_load %arg6[%get3A_649, %get3A_650] {strides = array<i32>} : memref<4x80xi32, #tpu.memory_space<vmem>>, vector<1x16xi32>,
      %get3A_652 = vector.shape_cast %get3A_651 : vector<1x16xi32> to vector<16xi32>
      %mul3A_653 = arith.constant 1024 : i32
      %mul3A_654 = arith.muli %select_n3A_7, %mul3A_653 : i32
      %add3A_655 = vector.broadcast %mul3A_654 : i32 to vector<16xi32>
      %add3A_656 = arith.addi %get3A_652, %add3A_655 : vector<16xi32>
      %swap3A_657 = arith.constant 3 : i32
      %swap3A_658 = arith.index_cast %swap3A_657 : i32 to index
      %swap3A_659 = arith.constant 0 : index
      %swap3A_660 = tpu.vector_load %arg6[%swap3A_658, %swap3A_659] {strides = array<i32>} : memref<4x80xi32, #tpu.memory_space<vmem>>, vector<1x16xi32>,
      %swap3A_661 = vector.shape_cast %swap3A_660 : vector<1x16xi32> to vector<16xi32>
      %swap3A_662 = vector.shape_cast %add3A_656 : vector<16xi32> to vector<1x16xi32>
      tpu.vector_store %arg6[%swap3A_658, %swap3A_659], %swap3A_662 {strides = array<i32>} : memref<4x80xi32, #tpu.memory_space<vmem>>, vector<1x16xi32>,
      %get3A_663 = arith.constant 3 : i32
      %get3A_664 = arith.index_cast %get3A_663 : i32 to index
      %get3A_665 = arith.constant 16 : index
      %get3A_666 = tpu.vector_load %arg6[%get3A_664, %get3A_665] {strides = array<i32>} : memref<4x80xi32, #tpu.memory_space<vmem>>, vector<1x16xi32>,
      %get3A_667 = vector.shape_cast %get3A_666 : vector<1x16xi32> to vector<16xi32>
      %mul3A_668 = arith.constant 1024 : i32
      %mul3A_669 = arith.muli %select_n3A_7, %mul3A_668 : i32
      %add3A_670 = vector.broadcast %mul3A_669 : i32 to vector<16xi32>
      %add3A_671 = arith.addi %get3A_667, %add3A_670 : vector<16xi32>
      %swap3A_672 = arith.constant 3 : i32
      %swap3A_673 = arith.index_cast %swap3A_672 : i32 to index
      %swap3A_674 = arith.constant 16 : index
      %swap3A_675 = tpu.vector_load %arg6[%swap3A_673, %swap3A_674] {strides = array<i32>} : memref<4x80xi32, #tpu.memory_space<vmem>>, vector<1x16xi32>,
      %swap3A_676 = vector.shape_cast %swap3A_675 : vector<1x16xi32> to vector<16xi32>
      %swap3A_677 = vector.shape_cast %add3A_671 : vector<16xi32> to vector<1x16xi32>
      tpu.vector_store %arg6[%swap3A_673, %swap3A_674], %swap3A_677 {strides = array<i32>} : memref<4x80xi32, #tpu.memory_space<vmem>>, vector<1x16xi32>,
      %get3A_678 = arith.constant 3 : i32
      %get3A_679 = arith.index_cast %get3A_678 : i32 to index
      %get3A_680 = arith.constant 32 : index
      %get3A_681 = tpu.vector_load %arg6[%get3A_679, %get3A_680] {strides = array<i32>} : memref<4x80xi32, #tpu.memory_space<vmem>>, vector<1x16xi32>,
      %get3A_682 = vector.shape_cast %get3A_681 : vector<1x16xi32> to vector<16xi32>
      %mul3A_683 = arith.constant 1024 : i32
      %mul3A_684 = arith.muli %select_n3A_7, %mul3A_683 : i32
      %add3A_685 = vector.broadcast %mul3A_684 : i32 to vector<16xi32>
      %add3A_686 = arith.addi %get3A_682, %add3A_685 : vector<16xi32>
      %swap3A_687 = arith.constant 3 : i32
      %swap3A_688 = arith.index_cast %swap3A_687 : i32 to index
      %swap3A_689 = arith.constant 32 : index
      %swap3A_690 = tpu.vector_load %arg6[%swap3A_688, %swap3A_689] {strides = array<i32>} : memref<4x80xi32, #tpu.memory_space<vmem>>, vector<1x16xi32>,
      %swap3A_691 = vector.shape_cast %swap3A_690 : vector<1x16xi32> to vector<16xi32>
      %swap3A_692 = vector.shape_cast %add3A_686 : vector<16xi32> to vector<1x16xi32>
      tpu.vector_store %arg6[%swap3A_688, %swap3A_689], %swap3A_692 {strides = array<i32>} : memref<4x80xi32, #tpu.memory_space<vmem>>, vector<1x16xi32>,
      %get3A_693 = arith.constant 3 : i32
      %get3A_694 = arith.index_cast %get3A_693 : i32 to index
      %get3A_695 = arith.constant 48 : index
      %get3A_696 = tpu.vector_load %arg6[%get3A_694, %get3A_695] {strides = array<i32>} : memref<4x80xi32, #tpu.memory_space<vmem>>, vector<1x16xi32>,
      %get3A_697 = vector.shape_cast %get3A_696 : vector<1x16xi32> to vector<16xi32>
      %mul3A_698 = arith.constant 1024 : i32
      %mul3A_699 = arith.muli %select_n3A_7, %mul3A_698 : i32
      %add3A_700 = vector.broadcast %mul3A_699 : i32 to vector<16xi32>
      %add3A_701 = arith.addi %get3A_697, %add3A_700 : vector<16xi32>
      %swap3A_702 = arith.constant 3 : i32
      %swap3A_703 = arith.index_cast %swap3A_702 : i32 to index
      %swap3A_704 = arith.constant 48 : index
      %swap3A_705 = tpu.vector_load %arg6[%swap3A_703, %swap3A_704] {strides = array<i32>} : memref<4x80xi32, #tpu.memory_space<vmem>>, vector<1x16xi32>,
      %swap3A_706 = vector.shape_cast %swap3A_705 : vector<1x16xi32> to vector<16xi32>
      %swap3A_707 = vector.shape_cast %add3A_701 : vector<16xi32> to vector<1x16xi32>
      tpu.vector_store %arg6[%swap3A_703, %swap3A_704], %swap3A_707 {strides = array<i32>} : memref<4x80xi32, #tpu.memory_space<vmem>>, vector<1x16xi32>,
      %get3A_708 = arith.constant 3 : i32
      %get3A_709 = arith.index_cast %get3A_708 : i32 to index
      %get3A_710 = arith.constant 64 : index
      %get3A_711 = tpu.vector_load %arg6[%get3A_709, %get3A_710] {strides = array<i32>} : memref<4x80xi32, #tpu.memory_space<vmem>>, vector<1x16xi32>,
      %get3A_712 = vector.shape_cast %get3A_711 : vector<1x16xi32> to vector<16xi32>
      %mul3A_713 = arith.constant 1024 : i32
      %mul3A_714 = arith.muli %select_n3A_7, %mul3A_713 : i32
      %add3A_715 = vector.broadcast %mul3A_714 : i32 to vector<16xi32>
      %add3A_716 = arith.addi %get3A_712, %add3A_715 : vector<16xi32>
      %swap3A_717 = arith.constant 3 : i32
      %swap3A_718 = arith.index_cast %swap3A_717 : i32 to index
      %swap3A_719 = arith.constant 64 : index
      %swap3A_720 = tpu.vector_load %arg6[%swap3A_718, %swap3A_719] {strides = array<i32>} : memref<4x80xi32, #tpu.memory_space<vmem>>, vector<1x16xi32>,
      %swap3A_721 = vector.shape_cast %swap3A_720 : vector<1x16xi32> to vector<16xi32>
      %swap3A_722 = vector.shape_cast %add3A_716 : vector<16xi32> to vector<1x16xi32>
      tpu.vector_store %arg6[%swap3A_718, %swap3A_719], %swap3A_722 {strides = array<i32>} : memref<4x80xi32, #tpu.memory_space<vmem>>, vector<1x16xi32>,
      %dma_start3A_723 = arith.constant 3 : i32
      %dma_start3A_724 = arith.constant 3 : i32
      %dma_start3A_725 = arith.constant 3 : i32
      %dma_start3A_726 = arith.constant 0 : i32
      %dma_start3A_727 = arith.constant 0 : i32
      %dma_start3A_728 = tpu.memref_slice %arg7[%dma_start3A_723, %dma_start3A_726, %dma_start3A_727] : memref<4x80x128xf32, #tpu.memory_space<vmem>> -> memref<1x80x128xf32, #tpu.memory_space<vmem>>
      %dma_start3A_729 = tpu.memref_squeeze %dma_start3A_728 : memref<1x80x128xf32, #tpu.memory_space<vmem>> -> memref<80x128xf32, #tpu.memory_space<vmem>>
      %dma_start3A_730 = arith.constant 0 : i32
      %dma_start3A_731 = tpu.memref_slice %arg6[%dma_start3A_724, %dma_start3A_730] : memref<4x80xi32, #tpu.memory_space<vmem>> -> memref<1x80xi32, #tpu.memory_space<vmem>>
      %dma_start3A_732 = tpu.memref_squeeze %dma_start3A_731 : memref<1x80xi32, #tpu.memory_space<vmem>> -> memref<80xi32, #tpu.memory_space<vmem>>
      %dma_start3A_733 = arith.constant 0 : i32
      %dma_start3A_734 = arith.constant 0 : i32
      %dma_start3A_735 = tpu.memref_slice %arg8[%dma_start3A_733, %dma_start3A_734] : memref<4096x128xf32, #tpu.memory_space<vmem_shared>> -> memref<4096x128xf32, #tpu.memory_space<vmem_shared>>
      %dma_start3A_736 = tpu.memref_slice %arg11[%dma_start3A_725] : memref<4x!tpu.dma_semaphore, #tpu.memory_space<semaphore_mem>> -> memref<1x!tpu.dma_semaphore, #tpu.memory_space<semaphore_mem>>
      %dma_start3A_737 = tpu.memref_squeeze %dma_start3A_736 : memref<1x!tpu.dma_semaphore, #tpu.memory_space<semaphore_mem>> -> memref<!tpu.dma_semaphore, #tpu.memory_space<semaphore_mem>>
      tpu.enqueue_indirect_dma source(%dma_start3A_729 : memref<80x128xf32, #tpu.memory_space<vmem>>) target(%dma_start3A_735 : memref<4096x128xf32, #tpu.memory_space<vmem_shared>>) offsets(%dma_start3A_732 : memref<80xi32, #tpu.memory_space<vmem>>) semaphore(%dma_start3A_737 : memref<!tpu.dma_semaphore, #tpu.memory_space<semaphore_mem>>) {add = true}
    }
    %scan3A_99 = arith.constant 39 : i32
    %dma_wait3A = arith.constant 0 : i32
    %dma_wait3A_100 = arith.constant 0 : i32
    %dma_wait3A_101 = arith.constant 0 : i32
    %dma_wait3A_102 = arith.constant 0 : i32
    %dma_wait3A_103 = arith.constant 0 : i32
    %dma_wait3A_104 = tpu.memref_slice %arg7[%dma_wait3A, %dma_wait3A_102, %dma_wait3A_103] : memref<4x80x128xf32, #tpu.memory_space<vmem>> -> memref<1x80x128xf32, #tpu.memory_space<vmem>>
    %dma_wait3A_105 = tpu.memref_squeeze %dma_wait3A_104 : memref<1x80x128xf32, #tpu.memory_space<vmem>> -> memref<80x128xf32, #tpu.memory_space<vmem>>
    %dma_wait3A_106 = arith.constant 0 : i32
    %dma_wait3A_107 = tpu.memref_slice %arg6[%dma_wait3A_100, %dma_wait3A_106] : memref<4x80xi32, #tpu.memory_space<vmem>> -> memref<1x80xi32, #tpu.memory_space<vmem>>
    %dma_wait3A_108 = tpu.memref_squeeze %dma_wait3A_107 : memref<1x80xi32, #tpu.memory_space<vmem>> -> memref<80xi32, #tpu.memory_space<vmem>>
    %dma_wait3A_109 = arith.constant 0 : i32
    %dma_wait3A_110 = arith.constant 0 : i32
    %dma_wait3A_111 = tpu.memref_slice %arg8[%dma_wait3A_109, %dma_wait3A_110] : memref<4096x128xf32, #tpu.memory_space<vmem_shared>> -> memref<4096x128xf32, #tpu.memory_space<vmem_shared>>
    %dma_wait3A_112 = tpu.memref_slice %arg11[%dma_wait3A_101] : memref<4x!tpu.dma_semaphore, #tpu.memory_space<semaphore_mem>> -> memref<1x!tpu.dma_semaphore, #tpu.memory_space<semaphore_mem>>
    %dma_wait3A_113 = tpu.memref_squeeze %dma_wait3A_112 : memref<1x!tpu.dma_semaphore, #tpu.memory_space<semaphore_mem>> -> memref<!tpu.dma_semaphore, #tpu.memory_space<semaphore_mem>>
    tpu.wait_indirect_dma semaphore(%dma_wait3A_113 : memref<!tpu.dma_semaphore, #tpu.memory_space<semaphore_mem>>) src(%dma_wait3A_105 : memref<80x128xf32, #tpu.memory_space<vmem>>) dst(%dma_wait3A_111 : memref<4096x128xf32, #tpu.memory_space<vmem_shared>>)
    %dma_wait3A_114 = arith.constant 1 : i32
    %dma_wait3A_115 = arith.constant 1 : i32
    %dma_wait3A_116 = arith.constant 1 : i32
    %dma_wait3A_117 = arith.constant 0 : i32
    %dma_wait3A_118 = arith.constant 0 : i32
    %dma_wait3A_119 = tpu.memref_slice %arg7[%dma_wait3A_114, %dma_wait3A_117, %dma_wait3A_118] : memref<4x80x128xf32, #tpu.memory_space<vmem>> -> memref<1x80x128xf32, #tpu.memory_space<vmem>>
    %dma_wait3A_120 = tpu.memref_squeeze %dma_wait3A_119 : memref<1x80x128xf32, #tpu.memory_space<vmem>> -> memref<80x128xf32, #tpu.memory_space<vmem>>
    %dma_wait3A_121 = arith.constant 0 : i32
    %dma_wait3A_122 = tpu.memref_slice %arg6[%dma_wait3A_115, %dma_wait3A_121] : memref<4x80xi32, #tpu.memory_space<vmem>> -> memref<1x80xi32, #tpu.memory_space<vmem>>
    %dma_wait3A_123 = tpu.memref_squeeze %dma_wait3A_122 : memref<1x80xi32, #tpu.memory_space<vmem>> -> memref<80xi32, #tpu.memory_space<vmem>>
    %dma_wait3A_124 = arith.constant 0 : i32
    %dma_wait3A_125 = arith.constant 0 : i32
    %dma_wait3A_126 = tpu.memref_slice %arg8[%dma_wait3A_124, %dma_wait3A_125] : memref<4096x128xf32, #tpu.memory_space<vmem_shared>> -> memref<4096x128xf32, #tpu.memory_space<vmem_shared>>
    %dma_wait3A_127 = tpu.memref_slice %arg11[%dma_wait3A_116] : memref<4x!tpu.dma_semaphore, #tpu.memory_space<semaphore_mem>> -> memref<1x!tpu.dma_semaphore, #tpu.memory_space<semaphore_mem>>
    %dma_wait3A_128 = tpu.memref_squeeze %dma_wait3A_127 : memref<1x!tpu.dma_semaphore, #tpu.memory_space<semaphore_mem>> -> memref<!tpu.dma_semaphore, #tpu.memory_space<semaphore_mem>>
    tpu.wait_indirect_dma semaphore(%dma_wait3A_128 : memref<!tpu.dma_semaphore, #tpu.memory_space<semaphore_mem>>) src(%dma_wait3A_120 : memref<80x128xf32, #tpu.memory_space<vmem>>) dst(%dma_wait3A_126 : memref<4096x128xf32, #tpu.memory_space<vmem_shared>>)
    %dma_wait3A_129 = arith.constant 2 : i32
    %dma_wait3A_130 = arith.constant 2 : i32
    %dma_wait3A_131 = arith.constant 2 : i32
    %dma_wait3A_132 = arith.constant 0 : i32
    %dma_wait3A_133 = arith.constant 0 : i32
    %dma_wait3A_134 = tpu.memref_slice %arg7[%dma_wait3A_129, %dma_wait3A_132, %dma_wait3A_133] : memref<4x80x128xf32, #tpu.memory_space<vmem>> -> memref<1x80x128xf32, #tpu.memory_space<vmem>>
    %dma_wait3A_135 = tpu.memref_squeeze %dma_wait3A_134 : memref<1x80x128xf32, #tpu.memory_space<vmem>> -> memref<80x128xf32, #tpu.memory_space<vmem>>
    %dma_wait3A_136 = arith.constant 0 : i32
    %dma_wait3A_137 = tpu.memref_slice %arg6[%dma_wait3A_130, %dma_wait3A_136] : memref<4x80xi32, #tpu.memory_space<vmem>> -> memref<1x80xi32, #tpu.memory_space<vmem>>
    %dma_wait3A_138 = tpu.memref_squeeze %dma_wait3A_137 : memref<1x80xi32, #tpu.memory_space<vmem>> -> memref<80xi32, #tpu.memory_space<vmem>>
    %dma_wait3A_139 = arith.constant 0 : i32
    %dma_wait3A_140 = arith.constant 0 : i32
    %dma_wait3A_141 = tpu.memref_slice %arg8[%dma_wait3A_139, %dma_wait3A_140] : memref<4096x128xf32, #tpu.memory_space<vmem_shared>> -> memref<4096x128xf32, #tpu.memory_space<vmem_shared>>
    %dma_wait3A_142 = tpu.memref_slice %arg11[%dma_wait3A_131] : memref<4x!tpu.dma_semaphore, #tpu.memory_space<semaphore_mem>> -> memref<1x!tpu.dma_semaphore, #tpu.memory_space<semaphore_mem>>
    %dma_wait3A_143 = tpu.memref_squeeze %dma_wait3A_142 : memref<1x!tpu.dma_semaphore, #tpu.memory_space<semaphore_mem>> -> memref<!tpu.dma_semaphore, #tpu.memory_space<semaphore_mem>>
    tpu.wait_indirect_dma semaphore(%dma_wait3A_143 : memref<!tpu.dma_semaphore, #tpu.memory_space<semaphore_mem>>) src(%dma_wait3A_135 : memref<80x128xf32, #tpu.memory_space<vmem>>) dst(%dma_wait3A_141 : memref<4096x128xf32, #tpu.memory_space<vmem_shared>>)
    %dma_wait3A_144 = arith.constant 3 : i32
    %dma_wait3A_145 = arith.constant 3 : i32
    %dma_wait3A_146 = arith.constant 3 : i32
    %dma_wait3A_147 = arith.constant 0 : i32
    %dma_wait3A_148 = arith.constant 0 : i32
    %dma_wait3A_149 = tpu.memref_slice %arg7[%dma_wait3A_144, %dma_wait3A_147, %dma_wait3A_148] : memref<4x80x128xf32, #tpu.memory_space<vmem>> -> memref<1x80x128xf32, #tpu.memory_space<vmem>>
    %dma_wait3A_150 = tpu.memref_squeeze %dma_wait3A_149 : memref<1x80x128xf32, #tpu.memory_space<vmem>> -> memref<80x128xf32, #tpu.memory_space<vmem>>
    %dma_wait3A_151 = arith.constant 0 : i32
    %dma_wait3A_152 = tpu.memref_slice %arg6[%dma_wait3A_145, %dma_wait3A_151] : memref<4x80xi32, #tpu.memory_space<vmem>> -> memref<1x80xi32, #tpu.memory_space<vmem>>
    %dma_wait3A_153 = tpu.memref_squeeze %dma_wait3A_152 : memref<1x80xi32, #tpu.memory_space<vmem>> -> memref<80xi32, #tpu.memory_space<vmem>>
    %dma_wait3A_154 = arith.constant 0 : i32
    %dma_wait3A_155 = arith.constant 0 : i32
    %dma_wait3A_156 = tpu.memref_slice %arg8[%dma_wait3A_154, %dma_wait3A_155] : memref<4096x128xf32, #tpu.memory_space<vmem_shared>> -> memref<4096x128xf32, #tpu.memory_space<vmem_shared>>
    %dma_wait3A_157 = tpu.memref_slice %arg11[%dma_wait3A_146] : memref<4x!tpu.dma_semaphore, #tpu.memory_space<semaphore_mem>> -> memref<1x!tpu.dma_semaphore, #tpu.memory_space<semaphore_mem>>
    %dma_wait3A_158 = tpu.memref_squeeze %dma_wait3A_157 : memref<1x!tpu.dma_semaphore, #tpu.memory_space<semaphore_mem>> -> memref<!tpu.dma_semaphore, #tpu.memory_space<semaphore_mem>>
    tpu.wait_indirect_dma semaphore(%dma_wait3A_158 : memref<!tpu.dma_semaphore, #tpu.memory_space<semaphore_mem>>) src(%dma_wait3A_150 : memref<80x128xf32, #tpu.memory_space<vmem>>) dst(%dma_wait3A_156 : memref<4096x128xf32, #tpu.memory_space<vmem_shared>>)
    %add3A_159 = arith.constant 1248 : i32
    %add3A_160 = arith.addi %add3A_159, %add3A_30 : i32
    %lt3A_161 = arith.constant 1250 : i32
    %lt3A_162 = arith.cmpi slt, %add3A_160, %lt3A_161 : i32
    %convert_element_type3A = arith.extui %lt3A_162 : i1 to i32
    %cond3A = arith.constant 0 : i32
    %cond3A_163 = arith.cmpi ne, %convert_element_type3A, %cond3A : i32
    scf.if %cond3A_163 {
      %mul3A_211 = arith.constant 80 : i32
      %mul3A_212 = arith.muli %add3A_160, %mul3A_211 : i32
      %run_scoped3A = arith.constant 0 : i32
      "tpu.region"() ({
        %run_scoped3A_319 = tpu.sem_alloc : memref<!tpu.dma_semaphore, #tpu.memory_space<semaphore_mem>>
        %dma_start3A_320 = arith.constant 0 : i32
        %dma_start3A_321 = tpu.memref_slice %arg6[%run_scoped3A, %dma_start3A_320] : memref<4x80xi32, #tpu.memory_space<vmem>> -> memref<1x80xi32, #tpu.memory_space<vmem>>
        %dma_start3A_322 = tpu.memref_squeeze %dma_start3A_321 : memref<1x80xi32, #tpu.memory_space<vmem>> -> memref<80xi32, #tpu.memory_space<vmem>>
        %dma_start3A_323 = tpu.memref_slice %arg3[%mul3A_212] : memref<100000xi32, #tpu.memory_space<hbm>> -> memref<80xi32, #tpu.memory_space<hbm>>
        %dma_start3A_324 = arith.constant 0 : i32
        %dma_start3A_325 = tpu.memref_slice %arg6[%run_scoped3A, %dma_start3A_324] : memref<4x80xi32, #tpu.memory_space<vmem>> -> memref<1x80xi32, #tpu.memory_space<vmem>>
        %dma_start3A_326 = tpu.memref_squeeze %dma_start3A_325 : memref<1x80xi32, #tpu.memory_space<vmem>> -> memref<80xi32, #tpu.memory_space<vmem>>
        %dma_start3A_327 = tpu.memref_slice %arg3[%mul3A_212] : memref<100000xi32, #tpu.memory_space<hbm>> -> memref<80xi32, #tpu.memory_space<hbm>>
        tpu.enqueue_dma source(%dma_start3A_327 : memref<80xi32, #tpu.memory_space<hbm>>) target(%dma_start3A_326 : memref<80xi32, #tpu.memory_space<vmem>>) target_semaphore(%run_scoped3A_319 : memref<!tpu.dma_semaphore, #tpu.memory_space<semaphore_mem>>)
        %dma_wait3A_328 = arith.constant 0 : i32
        %dma_wait3A_329 = tpu.memref_slice %arg6[%run_scoped3A, %dma_wait3A_328] : memref<4x80xi32, #tpu.memory_space<vmem>> -> memref<1x80xi32, #tpu.memory_space<vmem>>
        %dma_wait3A_330 = tpu.memref_squeeze %dma_wait3A_329 : memref<1x80xi32, #tpu.memory_space<vmem>> -> memref<80xi32, #tpu.memory_space<vmem>>
        %dma_wait3A_331 = tpu.memref_slice %arg3[%mul3A_212] : memref<100000xi32, #tpu.memory_space<hbm>> -> memref<80xi32, #tpu.memory_space<hbm>>
        %dma_wait3A_332 = arith.constant 0 : i32
        %dma_wait3A_333 = tpu.memref_slice %arg6[%run_scoped3A, %dma_wait3A_332] : memref<4x80xi32, #tpu.memory_space<vmem>> -> memref<1x80xi32, #tpu.memory_space<vmem>>
        %dma_wait3A_334 = tpu.memref_squeeze %dma_wait3A_333 : memref<1x80xi32, #tpu.memory_space<vmem>> -> memref<80xi32, #tpu.memory_space<vmem>>
        %dma_wait3A_335 = tpu.memref_slice %arg3[%mul3A_212] : memref<100000xi32, #tpu.memory_space<hbm>> -> memref<80xi32, #tpu.memory_space<hbm>>
        tpu.wait_dma2 semaphore(%run_scoped3A_319 : memref<!tpu.dma_semaphore, #tpu.memory_space<semaphore_mem>>) src(%dma_wait3A_335 : memref<80xi32, #tpu.memory_space<hbm>>) dst(%dma_wait3A_334 : memref<80xi32, #tpu.memory_space<vmem>>)
        tpu.yield
      }) : () -> ()
      %mul3A_213 = arith.constant 128 : i32
      %mul3A_214 = arith.muli %select_n3A_7, %mul3A_213 : i32
      %run_scoped3A_215 = arith.constant 0 : i32
      "tpu.region"() ({
        %run_scoped3A_319 = tpu.sem_alloc : memref<!tpu.dma_semaphore, #tpu.memory_space<semaphore_mem>>
        %dma_start3A_320 = arith.constant 0 : i32
        %dma_start3A_321 = arith.constant 0 : i32
        %dma_start3A_322 = tpu.memref_slice %arg7[%run_scoped3A_215, %dma_start3A_320, %dma_start3A_321] : memref<4x80x128xf32, #tpu.memory_space<vmem>> -> memref<1x80x128xf32, #tpu.memory_space<vmem>>
        %dma_start3A_323 = tpu.memref_squeeze %dma_start3A_322 : memref<1x80x128xf32, #tpu.memory_space<vmem>> -> memref<80x128xf32, #tpu.memory_space<vmem>>
        %dma_start3A_324 = tpu.memref_slice %arg2[%mul3A_212, %mul3A_214] : memref<100000x512xf32, #tpu.memory_space<hbm>> -> memref<80x128xf32, #tpu.memory_space<hbm>>
        %dma_start3A_325 = arith.constant 0 : i32
        %dma_start3A_326 = arith.constant 0 : i32
        %dma_start3A_327 = tpu.memref_slice %arg7[%run_scoped3A_215, %dma_start3A_325, %dma_start3A_326] : memref<4x80x128xf32, #tpu.memory_space<vmem>> -> memref<1x80x128xf32, #tpu.memory_space<vmem>>
        %dma_start3A_328 = tpu.memref_squeeze %dma_start3A_327 : memref<1x80x128xf32, #tpu.memory_space<vmem>> -> memref<80x128xf32, #tpu.memory_space<vmem>>
        %dma_start3A_329 = tpu.memref_slice %arg2[%mul3A_212, %mul3A_214] : memref<100000x512xf32, #tpu.memory_space<hbm>> -> memref<80x128xf32, #tpu.memory_space<hbm>>
        tpu.enqueue_dma source(%dma_start3A_329 : memref<80x128xf32, #tpu.memory_space<hbm>>) target(%dma_start3A_328 : memref<80x128xf32, #tpu.memory_space<vmem>>) target_semaphore(%run_scoped3A_319 : memref<!tpu.dma_semaphore, #tpu.memory_space<semaphore_mem>>)
        %dma_wait3A_330 = arith.constant 0 : i32
        %dma_wait3A_331 = arith.constant 0 : i32
        %dma_wait3A_332 = tpu.memref_slice %arg7[%run_scoped3A_215, %dma_wait3A_330, %dma_wait3A_331] : memref<4x80x128xf32, #tpu.memory_space<vmem>> -> memref<1x80x128xf32, #tpu.memory_space<vmem>>
        %dma_wait3A_333 = tpu.memref_squeeze %dma_wait3A_332 : memref<1x80x128xf32, #tpu.memory_space<vmem>> -> memref<80x128xf32, #tpu.memory_space<vmem>>
        %dma_wait3A_334 = tpu.memref_slice %arg2[%mul3A_212, %mul3A_214] : memref<100000x512xf32, #tpu.memory_space<hbm>> -> memref<80x128xf32, #tpu.memory_space<hbm>>
        %dma_wait3A_335 = arith.constant 0 : i32
        %dma_wait3A_336 = arith.constant 0 : i32
        %dma_wait3A_337 = tpu.memref_slice %arg7[%run_scoped3A_215, %dma_wait3A_335, %dma_wait3A_336] : memref<4x80x128xf32, #tpu.memory_space<vmem>> -> memref<1x80x128xf32, #tpu.memory_space<vmem>>
        %dma_wait3A_338 = tpu.memref_squeeze %dma_wait3A_337 : memref<1x80x128xf32, #tpu.memory_space<vmem>> -> memref<80x128xf32, #tpu.memory_space<vmem>>
        %dma_wait3A_339 = tpu.memref_slice %arg2[%mul3A_212, %mul3A_214] : memref<100000x512xf32, #tpu.memory_space<hbm>> -> memref<80x128xf32, #tpu.memory_space<hbm>>
        tpu.wait_dma2 semaphore(%run_scoped3A_319 : memref<!tpu.dma_semaphore, #tpu.memory_space<semaphore_mem>>) src(%dma_wait3A_339 : memref<80x128xf32, #tpu.memory_space<hbm>>) dst(%dma_wait3A_338 : memref<80x128xf32, #tpu.memory_space<vmem>>)
        tpu.yield
      }) : () -> ()
      %get3A = arith.constant 0 : i32
      %get3A_216 = arith.index_cast %get3A : i32 to index
      %get3A_217 = arith.constant 0 : index
      %get3A_218 = tpu.vector_load %arg6[%get3A_216, %get3A_217] {strides = array<i32>} : memref<4x80xi32, #tpu.memory_space<vmem>>, vector<1x16xi32>,
      %get3A_219 = vector.shape_cast %get3A_218 : vector<1x16xi32> to vector<16xi32>
      %mul3A_220 = arith.constant 1024 : i32
      %mul3A_221 = arith.muli %select_n3A_7, %mul3A_220 : i32
      %add3A_222 = vector.broadcast %mul3A_221 : i32 to vector<16xi32>
      %add3A_223 = arith.addi %get3A_219, %add3A_222 : vector<16xi32>
      %swap3A = arith.constant 0 : i32
      %swap3A_224 = arith.index_cast %swap3A : i32 to index
      %swap3A_225 = arith.constant 0 : index
      %swap3A_226 = tpu.vector_load %arg6[%swap3A_224, %swap3A_225] {strides = array<i32>} : memref<4x80xi32, #tpu.memory_space<vmem>>, vector<1x16xi32>,
      %swap3A_227 = vector.shape_cast %swap3A_226 : vector<1x16xi32> to vector<16xi32>
      %swap3A_228 = vector.shape_cast %add3A_223 : vector<16xi32> to vector<1x16xi32>
      tpu.vector_store %arg6[%swap3A_224, %swap3A_225], %swap3A_228 {strides = array<i32>} : memref<4x80xi32, #tpu.memory_space<vmem>>, vector<1x16xi32>,
      %get3A_229 = arith.constant 0 : i32
      %get3A_230 = arith.index_cast %get3A_229 : i32 to index
      %get3A_231 = arith.constant 16 : index
      %get3A_232 = tpu.vector_load %arg6[%get3A_230, %get3A_231] {strides = array<i32>} : memref<4x80xi32, #tpu.memory_space<vmem>>, vector<1x16xi32>,
      %get3A_233 = vector.shape_cast %get3A_232 : vector<1x16xi32> to vector<16xi32>
      %mul3A_234 = arith.constant 1024 : i32
      %mul3A_235 = arith.muli %select_n3A_7, %mul3A_234 : i32
      %add3A_236 = vector.broadcast %mul3A_235 : i32 to vector<16xi32>
      %add3A_237 = arith.addi %get3A_233, %add3A_236 : vector<16xi32>
      %swap3A_238 = arith.constant 0 : i32
      %swap3A_239 = arith.index_cast %swap3A_238 : i32 to index
      %swap3A_240 = arith.constant 16 : index
      %swap3A_241 = tpu.vector_load %arg6[%swap3A_239, %swap3A_240] {strides = array<i32>} : memref<4x80xi32, #tpu.memory_space<vmem>>, vector<1x16xi32>,
      %swap3A_242 = vector.shape_cast %swap3A_241 : vector<1x16xi32> to vector<16xi32>
      %swap3A_243 = vector.shape_cast %add3A_237 : vector<16xi32> to vector<1x16xi32>
      tpu.vector_store %arg6[%swap3A_239, %swap3A_240], %swap3A_243 {strides = array<i32>} : memref<4x80xi32, #tpu.memory_space<vmem>>, vector<1x16xi32>,
      %get3A_244 = arith.constant 0 : i32
      %get3A_245 = arith.index_cast %get3A_244 : i32 to index
      %get3A_246 = arith.constant 32 : index
      %get3A_247 = tpu.vector_load %arg6[%get3A_245, %get3A_246] {strides = array<i32>} : memref<4x80xi32, #tpu.memory_space<vmem>>, vector<1x16xi32>,
      %get3A_248 = vector.shape_cast %get3A_247 : vector<1x16xi32> to vector<16xi32>
      %mul3A_249 = arith.constant 1024 : i32
      %mul3A_250 = arith.muli %select_n3A_7, %mul3A_249 : i32
      %add3A_251 = vector.broadcast %mul3A_250 : i32 to vector<16xi32>
      %add3A_252 = arith.addi %get3A_248, %add3A_251 : vector<16xi32>
      %swap3A_253 = arith.constant 0 : i32
      %swap3A_254 = arith.index_cast %swap3A_253 : i32 to index
      %swap3A_255 = arith.constant 32 : index
      %swap3A_256 = tpu.vector_load %arg6[%swap3A_254, %swap3A_255] {strides = array<i32>} : memref<4x80xi32, #tpu.memory_space<vmem>>, vector<1x16xi32>,
      %swap3A_257 = vector.shape_cast %swap3A_256 : vector<1x16xi32> to vector<16xi32>
      %swap3A_258 = vector.shape_cast %add3A_252 : vector<16xi32> to vector<1x16xi32>
      tpu.vector_store %arg6[%swap3A_254, %swap3A_255], %swap3A_258 {strides = array<i32>} : memref<4x80xi32, #tpu.memory_space<vmem>>, vector<1x16xi32>,
      %get3A_259 = arith.constant 0 : i32
      %get3A_260 = arith.index_cast %get3A_259 : i32 to index
      %get3A_261 = arith.constant 48 : index
      %get3A_262 = tpu.vector_load %arg6[%get3A_260, %get3A_261] {strides = array<i32>} : memref<4x80xi32, #tpu.memory_space<vmem>>, vector<1x16xi32>,
      %get3A_263 = vector.shape_cast %get3A_262 : vector<1x16xi32> to vector<16xi32>
      %mul3A_264 = arith.constant 1024 : i32
      %mul3A_265 = arith.muli %select_n3A_7, %mul3A_264 : i32
      %add3A_266 = vector.broadcast %mul3A_265 : i32 to vector<16xi32>
      %add3A_267 = arith.addi %get3A_263, %add3A_266 : vector<16xi32>
      %swap3A_268 = arith.constant 0 : i32
      %swap3A_269 = arith.index_cast %swap3A_268 : i32 to index
      %swap3A_270 = arith.constant 48 : index
      %swap3A_271 = tpu.vector_load %arg6[%swap3A_269, %swap3A_270] {strides = array<i32>} : memref<4x80xi32, #tpu.memory_space<vmem>>, vector<1x16xi32>,
      %swap3A_272 = vector.shape_cast %swap3A_271 : vector<1x16xi32> to vector<16xi32>
      %swap3A_273 = vector.shape_cast %add3A_267 : vector<16xi32> to vector<1x16xi32>
      tpu.vector_store %arg6[%swap3A_269, %swap3A_270], %swap3A_273 {strides = array<i32>} : memref<4x80xi32, #tpu.memory_space<vmem>>, vector<1x16xi32>,
      %get3A_274 = arith.constant 0 : i32
      %get3A_275 = arith.index_cast %get3A_274 : i32 to index
      %get3A_276 = arith.constant 64 : index
      %get3A_277 = tpu.vector_load %arg6[%get3A_275, %get3A_276] {strides = array<i32>} : memref<4x80xi32, #tpu.memory_space<vmem>>, vector<1x16xi32>,
      %get3A_278 = vector.shape_cast %get3A_277 : vector<1x16xi32> to vector<16xi32>
      %mul3A_279 = arith.constant 1024 : i32
      %mul3A_280 = arith.muli %select_n3A_7, %mul3A_279 : i32
      %add3A_281 = vector.broadcast %mul3A_280 : i32 to vector<16xi32>
      %add3A_282 = arith.addi %get3A_278, %add3A_281 : vector<16xi32>
      %swap3A_283 = arith.constant 0 : i32
      %swap3A_284 = arith.index_cast %swap3A_283 : i32 to index
      %swap3A_285 = arith.constant 64 : index
      %swap3A_286 = tpu.vector_load %arg6[%swap3A_284, %swap3A_285] {strides = array<i32>} : memref<4x80xi32, #tpu.memory_space<vmem>>, vector<1x16xi32>,
      %swap3A_287 = vector.shape_cast %swap3A_286 : vector<1x16xi32> to vector<16xi32>
      %swap3A_288 = vector.shape_cast %add3A_282 : vector<16xi32> to vector<1x16xi32>
      tpu.vector_store %arg6[%swap3A_284, %swap3A_285], %swap3A_288 {strides = array<i32>} : memref<4x80xi32, #tpu.memory_space<vmem>>, vector<1x16xi32>,
      %dma_start3A_289 = arith.constant 0 : i32
      %dma_start3A_290 = arith.constant 0 : i32
      %dma_start3A_291 = arith.constant 0 : i32
      %dma_start3A_292 = arith.constant 0 : i32
      %dma_start3A_293 = arith.constant 0 : i32
      %dma_start3A_294 = tpu.memref_slice %arg7[%dma_start3A_289, %dma_start3A_292, %dma_start3A_293] : memref<4x80x128xf32, #tpu.memory_space<vmem>> -> memref<1x80x128xf32, #tpu.memory_space<vmem>>
      %dma_start3A_295 = tpu.memref_squeeze %dma_start3A_294 : memref<1x80x128xf32, #tpu.memory_space<vmem>> -> memref<80x128xf32, #tpu.memory_space<vmem>>
      %dma_start3A_296 = arith.constant 0 : i32
      %dma_start3A_297 = tpu.memref_slice %arg6[%dma_start3A_290, %dma_start3A_296] : memref<4x80xi32, #tpu.memory_space<vmem>> -> memref<1x80xi32, #tpu.memory_space<vmem>>
      %dma_start3A_298 = tpu.memref_squeeze %dma_start3A_297 : memref<1x80xi32, #tpu.memory_space<vmem>> -> memref<80xi32, #tpu.memory_space<vmem>>
      %dma_start3A_299 = arith.constant 0 : i32
      %dma_start3A_300 = arith.constant 0 : i32
      %dma_start3A_301 = tpu.memref_slice %arg8[%dma_start3A_299, %dma_start3A_300] : memref<4096x128xf32, #tpu.memory_space<vmem_shared>> -> memref<4096x128xf32, #tpu.memory_space<vmem_shared>>
      %dma_start3A_302 = tpu.memref_slice %arg11[%dma_start3A_291] : memref<4x!tpu.dma_semaphore, #tpu.memory_space<semaphore_mem>> -> memref<1x!tpu.dma_semaphore, #tpu.memory_space<semaphore_mem>>
      %dma_start3A_303 = tpu.memref_squeeze %dma_start3A_302 : memref<1x!tpu.dma_semaphore, #tpu.memory_space<semaphore_mem>> -> memref<!tpu.dma_semaphore, #tpu.memory_space<semaphore_mem>>
      tpu.enqueue_indirect_dma source(%dma_start3A_295 : memref<80x128xf32, #tpu.memory_space<vmem>>) target(%dma_start3A_301 : memref<4096x128xf32, #tpu.memory_space<vmem_shared>>) offsets(%dma_start3A_298 : memref<80xi32, #tpu.memory_space<vmem>>) semaphore(%dma_start3A_303 : memref<!tpu.dma_semaphore, #tpu.memory_space<semaphore_mem>>) {add = true}
      %dma_wait3A_304 = arith.constant 0 : i32
      %dma_wait3A_305 = arith.constant 0 : i32
      %dma_wait3A_306 = arith.constant 0 : i32
      %dma_wait3A_307 = arith.constant 0 : i32
      %dma_wait3A_308 = arith.constant 0 : i32
      %dma_wait3A_309 = tpu.memref_slice %arg7[%dma_wait3A_304, %dma_wait3A_307, %dma_wait3A_308] : memref<4x80x128xf32, #tpu.memory_space<vmem>> -> memref<1x80x128xf32, #tpu.memory_space<vmem>>
      %dma_wait3A_310 = tpu.memref_squeeze %dma_wait3A_309 : memref<1x80x128xf32, #tpu.memory_space<vmem>> -> memref<80x128xf32, #tpu.memory_space<vmem>>
      %dma_wait3A_311 = arith.constant 0 : i32
      %dma_wait3A_312 = tpu.memref_slice %arg6[%dma_wait3A_305, %dma_wait3A_311] : memref<4x80xi32, #tpu.memory_space<vmem>> -> memref<1x80xi32, #tpu.memory_space<vmem>>
      %dma_wait3A_313 = tpu.memref_squeeze %dma_wait3A_312 : memref<1x80xi32, #tpu.memory_space<vmem>> -> memref<80xi32, #tpu.memory_space<vmem>>
      %dma_wait3A_314 = arith.constant 0 : i32
      %dma_wait3A_315 = arith.constant 0 : i32
      %dma_wait3A_316 = tpu.memref_slice %arg8[%dma_wait3A_314, %dma_wait3A_315] : memref<4096x128xf32, #tpu.memory_space<vmem_shared>> -> memref<4096x128xf32, #tpu.memory_space<vmem_shared>>
      %dma_wait3A_317 = tpu.memref_slice %arg11[%dma_wait3A_306] : memref<4x!tpu.dma_semaphore, #tpu.memory_space<semaphore_mem>> -> memref<1x!tpu.dma_semaphore, #tpu.memory_space<semaphore_mem>>
      %dma_wait3A_318 = tpu.memref_squeeze %dma_wait3A_317 : memref<1x!tpu.dma_semaphore, #tpu.memory_space<semaphore_mem>> -> memref<!tpu.dma_semaphore, #tpu.memory_space<semaphore_mem>>
      tpu.wait_indirect_dma semaphore(%dma_wait3A_318 : memref<!tpu.dma_semaphore, #tpu.memory_space<semaphore_mem>>) src(%dma_wait3A_310 : memref<80x128xf32, #tpu.memory_space<vmem>>) dst(%dma_wait3A_316 : memref<4096x128xf32, #tpu.memory_space<vmem_shared>>)
    } else {
    }
    %barrier3A_164 = arith.constant 0 : index
    tpu.barrier barrier_id(%barrier3A_164)
    %mul3A_165 = arith.constant 256 : i32
    %mul3A_166 = arith.muli %arg1, %mul3A_165 : i32
    %jit3A_167 = arith.constant 4 : i32
    %eq3A_168 = arith.constant 0 : i32
    %eq3A_169 = arith.cmpi eq, %jit3A_167, %eq3A_168 : i32
    %jit3A_170 = arith.constant 1 : i32
    %select_n3A_171 = arith.select %eq3A_169, %jit3A_170, %jit3A_167 : i32
    %rem3A_172 = arith.remsi %arg1, %select_n3A_171 : i32
    %ne3A_173 = arith.constant 0 : i32
    %ne3A_174 = arith.cmpi ne, %rem3A_172, %ne3A_173 : i32
    %lt3A_175 = arith.constant 0 : i32
    %lt3A_176 = arith.cmpi slt, %rem3A_172, %lt3A_175 : i32
    %lt3A_177 = arith.constant 0 : i32
    %lt3A_178 = arith.cmpi slt, %select_n3A_171, %lt3A_177 : i32
    %ne3A_179 = arith.xori %lt3A_176, %lt3A_178 : i1
    %and3A_180 = arith.andi %ne3A_179, %ne3A_174 : i1
    %add3A_181 = arith.addi %rem3A_172, %select_n3A_171 : i32
    %select_n3A_182 = arith.select %and3A_180, %add3A_181, %rem3A_172 : i32
    %mul3A_183 = arith.constant 256 : i32
    %mul3A_184 = arith.muli %select_n3A_182, %mul3A_183 : i32
    %jit3A_185 = arith.constant 4 : i32
    %div3A_186 = arith.divsi %arg1, %jit3A_185 : i32
    %sign3A_187 = arith.constant 0 : i32
    %sign3A_188 = arith.cmpi sgt, %arg1, %sign3A_187 : i32
    %sign3A_189 = arith.extui %sign3A_188 : i1 to i32
    %sign3A_190 = arith.constant 0 : i32
    %sign3A_191 = arith.cmpi slt, %arg1, %sign3A_190 : i32
    %sign3A_192 = arith.extui %sign3A_191 : i1 to i32
    %sign3A_193 = arith.subi %sign3A_189, %sign3A_192 : i32
    %sign3A_194 = arith.constant 0 : i32
    %sign3A_195 = arith.cmpi sgt, %jit3A_185, %sign3A_194 : i32
    %sign3A_196 = arith.extui %sign3A_195 : i1 to i32
    %sign3A_197 = arith.constant 0 : i32
    %sign3A_198 = arith.cmpi slt, %jit3A_185, %sign3A_197 : i32
    %sign3A_199 = arith.extui %sign3A_198 : i1 to i32
    %sign3A_200 = arith.subi %sign3A_196, %sign3A_199 : i32
    %ne3A_201 = arith.cmpi ne, %sign3A_193, %sign3A_200 : i32
    %rem3A_202 = arith.remsi %arg1, %jit3A_185 : i32
    %ne3A_203 = arith.constant 0 : i32
    %ne3A_204 = arith.cmpi ne, %rem3A_202, %ne3A_203 : i32
    %and3A_205 = arith.andi %ne3A_201, %ne3A_204 : i1
    %sub3A_206 = arith.constant 1 : i32
    %sub3A_207 = arith.subi %div3A_186, %sub3A_206 : i32
    %select_n3A_208 = arith.select %and3A_205, %sub3A_207, %div3A_186 : i32
    %mul3A_209 = arith.constant 128 : i32
    %mul3A_210 = arith.muli %select_n3A_208, %mul3A_209 : i32
    "tpu.region"() ({
      %run_scoped3A = tpu.sem_alloc : memref<!tpu.dma_semaphore, #tpu.memory_space<semaphore_mem>>
      %dma_start3A_211 = tpu.memref_slice %arg5[%arg0, %mul3A_184, %mul3A_210] : memref<2x1024x512xf32, #tpu.memory_space<hbm>> -> memref<1x256x128xf32, #tpu.memory_space<hbm>>
      %dma_start3A_212 = tpu.memref_squeeze %dma_start3A_211 : memref<1x256x128xf32, #tpu.memory_space<hbm>> -> memref<256x128xf32, #tpu.memory_space<hbm>>
      %dma_start3A_213 = arith.constant 0 : i32
      %dma_start3A_214 = tpu.memref_slice %arg8[%mul3A_166, %dma_start3A_213] : memref<4096x128xf32, #tpu.memory_space<vmem_shared>> -> memref<256x128xf32, #tpu.memory_space<vmem_shared>>
      tpu.enqueue_dma source(%dma_start3A_214 : memref<256x128xf32, #tpu.memory_space<vmem_shared>>) target(%dma_start3A_212 : memref<256x128xf32, #tpu.memory_space<hbm>>) target_semaphore(%run_scoped3A : memref<!tpu.dma_semaphore, #tpu.memory_space<semaphore_mem>>)
      %dma_wait3A_215 = tpu.memref_slice %arg5[%arg0, %mul3A_184, %mul3A_210] : memref<2x1024x512xf32, #tpu.memory_space<hbm>> -> memref<1x256x128xf32, #tpu.memory_space<hbm>>
      %dma_wait3A_216 = tpu.memref_squeeze %dma_wait3A_215 : memref<1x256x128xf32, #tpu.memory_space<hbm>> -> memref<256x128xf32, #tpu.memory_space<hbm>>
      %dma_wait3A_217 = arith.constant 0 : i32
      %dma_wait3A_218 = tpu.memref_slice %arg8[%mul3A_166, %dma_wait3A_217] : memref<4096x128xf32, #tpu.memory_space<vmem_shared>> -> memref<256x128xf32, #tpu.memory_space<vmem_shared>>
      tpu.wait_dma2 semaphore(%run_scoped3A : memref<!tpu.dma_semaphore, #tpu.memory_space<semaphore_mem>>) src(%dma_wait3A_218 : memref<256x128xf32, #tpu.memory_space<vmem_shared>>) dst(%dma_wait3A_216 : memref<256x128xf32, #tpu.memory_space<hbm>>)
      tpu.yield
    }) : () -> ()
    return
  }
}

module attributes {stable_mosaic.version = 14 : i64} {
  func.func @_dense_body(%arg0: i32, %arg1: memref<1000x512xf32, #tpu.memory_space<vmem>>, %arg2: memref<512x512xf32, #tpu.memory_space<vmem>>, %arg3: memref<512x512xf32, #tpu.memory_space<vmem>>, %arg4: memref<1000x512xf32, #tpu.memory_space<vmem>>) attributes {dimension_semantics = [#tpu.dimension_semantics<arbitrary>], iteration_bounds = array<i64: 100>, scalar_prefetch = 0 : i64, scratch_operands = 0 : i64, tpu.core_type = #tpu.core_type<tc>, window_params = [{transform_indices = @transform_0, window_bounds = array<i64: 1000, 512>}, {pipeline_mode = #tpu.pipeline_mode<synchronous>, transform_indices = @transform_1, window_bounds = array<i64: 512, 512>}, {pipeline_mode = #tpu.pipeline_mode<synchronous>, transform_indices = @transform_2, window_bounds = array<i64: 512, 512>}, {transform_indices = @transform_3, window_bounds = array<i64: 1000, 512>}]} {
    %get3A = arith.constant 0 : index
    %get3A_0 = arith.constant 0 : index
    %get3A_1 = vector.load %arg1[%get3A, %get3A_0] : memref<1000x512xf32, #tpu.memory_space<vmem>>, vector<1000x512xf32>
    %get3A_2 = arith.constant 0 : index
    %get3A_3 = arith.constant 0 : index
    %get3A_4 = vector.load %arg2[%get3A_2, %get3A_3] : memref<512x512xf32, #tpu.memory_space<vmem>>, vector<512x512xf32>
    %dot_general3A = arith.constant dense<0.000000e+00> : vector<1000x512xf32>
    %dot_general3A_5 = tpu.matmul %get3A_1, %get3A_4, %dot_general3A {dimension_numbers = #tpu.dot_dimension_numbers<[1], [0], [0], [1], [0, 0, 1, 1], [], []>, transpose_lhs_hint = false} : vector<1000x512xf32>, vector<512x512xf32>, vector<1000x512xf32> -> vector<1000x512xf32>
    %get3A_6 = arith.constant 0 : index
    %get3A_7 = arith.constant 0 : index
    %get3A_8 = vector.load %arg3[%get3A_6, %get3A_7] : memref<512x512xf32, #tpu.memory_space<vmem>>, vector<512x512xf32>
    %dot_general3A_9 = arith.constant dense<0.000000e+00> : vector<1000x512xf32>
    %dot_general3A_10 = tpu.matmul %get3A_1, %get3A_8, %dot_general3A_9 {dimension_numbers = #tpu.dot_dimension_numbers<[1], [0], [0], [1], [0, 0, 1, 1], [], []>, transpose_lhs_hint = false} : vector<1000x512xf32>, vector<512x512xf32>, vector<1000x512xf32> -> vector<1000x512xf32>
    %gt3A = arith.constant 0.000000e+00 : f32
    %gt3A_11 = vector.broadcast %gt3A : f32 to vector<1000x512xf32>
    %gt3A_12 = arith.cmpf ogt, %dot_general3A_5, %gt3A_11 : vector<1000x512xf32>
    %exp3A = math.exp %dot_general3A_5 : vector<1000x512xf32>
    %sub3A = arith.constant 1.000000e+00 : f32
    %sub3A_13 = vector.broadcast %sub3A : f32 to vector<1000x512xf32>
    %sub3A_14 = arith.subf %exp3A, %sub3A_13 : vector<1000x512xf32>
    %select_n3A = arith.select %gt3A_12, %dot_general3A_5, %sub3A_14 : vector<1000x512xi1>, vector<1000x512xf32>
    %mul3A = arith.mulf %select_n3A, %dot_general3A_10 : vector<1000x512xf32>
    %swap3A = arith.constant 0 : index
    %swap3A_15 = arith.constant 0 : index
    %swap3A_16 = vector.load %arg4[%swap3A, %swap3A_15] : memref<1000x512xf32, #tpu.memory_space<vmem>>, vector<1000x512xf32>
    tpu.vector_store %arg4[%swap3A, %swap3A_15], %mul3A {strides = array<i32>} : memref<1000x512xf32, #tpu.memory_space<vmem>>, vector<1000x512xf32>,
    return
  }
  func.func @transform_0(%arg0: i32) -> (i32, i32) {
    %c0_i32 = arith.constant 0 : i32
    %c0_i32_0 = arith.constant 0 : i32
    return %arg0, %c0_i32 : i32, i32
  }
  func.func @transform_1(%arg0: i32) -> (i32, i32) {
    %c0_i32 = arith.constant 0 : i32
    %c0_i32_0 = arith.constant 0 : i32
    %c0_i32_1 = arith.constant 0 : i32
    return %c0_i32, %c0_i32_0 : i32, i32
  }
  func.func @transform_2(%arg0: i32) -> (i32, i32) {
    %c0_i32 = arith.constant 0 : i32
    %c0_i32_0 = arith.constant 0 : i32
    %c0_i32_1 = arith.constant 0 : i32
    return %c0_i32, %c0_i32_0 : i32, i32
  }
  func.func @transform_3(%arg0: i32) -> (i32, i32) {
    %c0_i32 = arith.constant 0 : i32
    %c0_i32_0 = arith.constant 0 : i32
    return %arg0, %c0_i32 : i32, i32
  }
}

</mosaic_0001>

<sc_bundles>
// kernel: kernel.4.cloned.1.call-start
scs
__scs_entry_jumppad:
0x0: {  	(pc) =	sbr.rel $0x88, $3  }
0x1: {  	(tag) =	ssettag $0x0;
	lr =	simm.s32 $0x1  }
0x2: {  	[smem:$0x3F9D] =	sst lr;
	_ =	strace $0xD0000000  }
0x3: {  	_ = 	snop  }
0x4: {  	_ = 	snop  }
0x5: {  	_ = 	snop  }
0x6: {  	_ = 	snop  }
0x7: {  	_ = 	snop  }
__scs_overlays_trampoline_lowered:
0x8: {  	[smem:$0x3FAC] =	sst s0  }
0x9: {  	[smem:$0x3FAD] =	sst s1  }
0xa: {  	[smem:$0x3FAE] =	sst s2  }
0xb: {  	[smem:$0x3FAF] =	sst s3  }
0xc: {  	[smem:$0x3FB0] =	sst s4  }
0xd: {  	[smem:$0x3FB1] =	sst s5  }
0xe: {  	[smem:$0x3FB2] =	sst s6  }
0xf: {  	[smem:$0x3FB3] =	sst s7  }
0x10: {  	[smem:$0x3FB4] =	sst s8  }
0x11: {  	[smem:$0x3FB5] =	sst s9;
	s0 =	simm.s32 @!p0 $0x0  }
0x12: {  	s1 =	sld [smem:$0x3F9B];
	s0 =	simm.s32 @p0 $0x1  }
0x13: {  	[smem:$0x3FB6] =	sst s0;
	s0 =	simm.s32 @!p1 $0x0  }
0x14: {  	s2 =	sld [smem:$0x3F9A];
	s0 =	simm.s32 @p1 $0x1  }
0x15: {  	[smem:$0x3FB7] =	sst s0;
	s0 =	simm.s32 @!p2 $0x0  }
0x16: {  	s3 =	sld [smem:$0x3FDB];
	s0 =	simm.s32 @p2 $0x1  }
0x17: {  	s4 =	simm.s32 $0x1BF5;
	[smem:$0x3FB9] =	sst s0  }
0x18: {  	s0 =	sld [smem:$0x3F9C];
	_ =	swait.ge [sflag:s4], $0x0  }
0x19: {  	s7 =	sld [smem:$0x3F9D]  }
0x1a: {  	s8 =	sadd.s32 $0xFFFFE003, lr  }
0x1b: {  	s9 =	sadd.s32 $0xFFFFFEF7, lr;
	s5 =	simm.s32 $0xFFFFFFFF;
	p2 =	slt.u32 s8, $0xFFFFF086  }
0x1c: {  	p1 =	slt.u32 s9, $0xF7A;
	s5 =	simm.s32 @!p2 $0x0  }
0x1d: {  	s5 =	simm.s32 @p1 $0x1;
	p0 =	seq.s32 s7, s2  }
0x1e: {  	s7 =	smul.u32 @!p0 $0xF7A, s2;
	p2 =	seq.s32 @!p0 s5, $0x0  }
0x1f: {  	s9 =	smul.u32 $0xF7A, s1;
	s8 =	simm.s32 @!p0 $0x1BF5;
	p2 =	por !p2, p0  }
0x20: {  	[sflag:s8] =	ssyncset.s32 @!p0 $0xFFFFF086;
	s6 =	sadd.s32 @!p0 s3, s7;
	s7 =	simm.s32 @!p0 $0x108  }
0x21: {  	s3 =	sadd.s32 s3, s9;
	s6 =	sadd.s32 @!p0 $0x88, s6;
	s7 =	simm.s32 @p2 $0x1082  }
0x22: {  	[simem:s7], [sflag:s8] =	dma.local @!p0 [hbm:s6], $0xF7A  }
0x23: {  	s9 =	sor.u32 $0xD0000000, s2;
	s6 =	simm.s32 $0x108;
	_ =	swait.ge @!p0 [sflag:s8], $0x0  }
0x24: {  	s3 =	sadd.s32 $0x88, s3;
	s6 =	simm.s32 @!p1 $0x1082;
	[sflag:s4] =	ssyncset.s32 $0xFFFFF086  }
0x25: {  	[simem:s6], [sflag:s4] =	dma.local [hbm:s3], $0xF7A  }
0x26: {  	[smem:$0x3F9D] =	sst s1;
	(tag) =	ssettag s2;
	_ =	strace s9  }
0x27: {  	s1 =	sld [smem:$0x3FAD]  }
0x28: {  	s2 =	sld [smem:$0x3FAE]  }
0x29: {  	s4 =	sld [smem:$0x3FB0]  }
0x2a: {  	p0 =	seq.s32 s5, $0x0;
	s5 =	sld [smem:$0x3FB1]  }
0x2b: {  	s6 =	sld [smem:$0x3FB2]  }
0x2c: {  	s7 =	sld [smem:$0x3FB3]  }
0x2d: {  	s3 =	simm.s32 $0x108;
	s8 =	sld [smem:$0x3FB4]  }
0x2e: {  	s3 =	simm.s32 @!p0 $0x1082;
	s9 =	sld [smem:$0x3FB5]  }
0x2f: {  	lr =	sadd.s32 s0, s3;
	s0 =	sld [smem:$0x3FAC]  }
0x30: {  	s3 =	sld [smem:$0x3FAF]  }
0x31: {  	[smem:$0x3FB8] =	sst s10  }
0x32: {  	s10 =	sld [smem:$0x3FB6];
	_ =	sdelay $0x3  }
0x33: {  	p0 =	seq.s32 s10, $0x1;
	s10 =	sld [smem:$0x3FB8];
	_ =	sdelay $0x3  }
0x34: {  	[smem:$0x3FB8] =	sst s10  }
0x35: {  	s10 =	sld [smem:$0x3FB7];
	_ =	sdelay $0x3  }
0x36: {  	p1 =	seq.s32 s10, $0x1;
	s10 =	sld [smem:$0x3FB8];
	_ =	sdelay $0x3  }
0x37: {  	[smem:$0x3FB8] =	sst s10  }
0x38: {  	s10 =	sld [smem:$0x3FB9]  }
0x39: {  	_ = 	snop;
	(pc) =	sbr.ind lr, $3  }
0x3a: {  	_ = 	snop  }
0x3b: {  	_ = 	snop  }
0x3c: {  	p2 =	seq.s32 s10, $0x1;
	s10 =	sld [smem:$0x3FB8]  }
0x3d: {  	_ =	shalt  }
0x3e: {  	_ =	shalt  }
0x3f: {  	_ =	shalt  }
0x40: {  	_ =	shalt  }
0x41: {  	_ =	shalt  }
0x42: {  	_ =	shalt  }
0x43: {  	_ =	shalt  }
0x44: {  	_ =	shalt  }
0x45: {  	_ =	shalt  }
0x46: {  	_ =	shalt  }
0x47: {  	_ =	shalt  }
0x48: {  	_ =	shalt  }
0x49: {  	_ =	shalt  }
0x4a: {  	_ =	shalt  }
0x4b: {  	_ =	shalt  }
0x4c: {  	_ =	shalt  }
0x4d: {  	_ =	shalt  }
0x4e: {  	_ =	shalt  }
0x4f: {  	_ =	shalt  }
0x50: {  	_ =	shalt  }
0x51: {  	_ =	shalt  }
0x52: {  	_ =	shalt  }
0x53: {  	_ =	shalt  }
0x54: {  	_ =	shalt  }
0x55: {  	_ =	shalt  }
0x56: {  	_ =	shalt  }
0x57: {  	_ =	shalt  }
0x58: {  	_ =	shalt  }
0x59: {  	_ =	shalt  }
0x5a: {  	_ =	shalt  }
0x5b: {  	_ =	shalt  }
0x5c: {  	_ =	shalt  }
0x5d: {  	_ =	shalt  }
0x5e: {  	_ =	shalt  }
0x5f: {  	_ =	shalt  }
0x60: {  	_ =	shalt  }
0x61: {  	_ =	shalt  }
0x62: {  	_ =	shalt  }
0x63: {  	_ =	shalt  }
0x64: {  	_ =	shalt  }
0x65: {  	_ =	shalt  }
0x66: {  	_ =	shalt  }
0x67: {  	_ =	shalt  }
0x68: {  	_ =	shalt  }
0x69: {  	_ =	shalt  }
0x6a: {  	_ =	shalt  }
0x6b: {  	_ =	shalt  }
0x6c: {  	_ =	shalt  }
0x6d: {  	_ =	shalt  }
0x6e: {  	_ =	shalt  }
0x6f: {  	_ =	shalt  }
0x70: {  	_ =	shalt  }
0x71: {  	_ =	shalt  }
0x72: {  	_ =	shalt  }
0x73: {  	_ =	shalt  }
0x74: {  	_ =	shalt  }
0x75: {  	_ =	shalt  }
0x76: {  	_ =	shalt  }
0x77: {  	_ =	shalt  }
0x78: {  	_ =	shalt  }
0x79: {  	_ =	shalt  }
0x7a: {  	_ =	shalt  }
0x7b: {  	_ =	shalt  }
0x7c: {  	_ =	shalt  }
0x7d: {  	_ =	shalt  }
0x7e: {  	_ =	shalt  }
0x7f: {  	_ =	shalt  }
0x80: {  	_ =	shalt  }
0x81: {  	_ =	shalt  }
0x82: {  	_ =	shalt  }
0x83: {  	_ =	shalt  }
0x84: {  	_ =	shalt  }
0x85: {  	_ =	shalt  }
0x86: {  	_ =	shalt  }
0x87: {  	_ =	shalt  }
.Lfunc_end0:
.L_simem_size_0:
called_computation_lowered:
.L_overlay_start_0:
0x88: {  	s2 =	sld [smem:$0x3FD9]  }
0x89: {  	s3 =	sld [smem:$0x3FFE];
	_ =	sdelay $0x1  }
0x8a: {  	s1 =	srdreg.scid  }
0x8b: {  	s0 =	sand.u32 $0x1, s1  }
0x8c: {  	s17 =	sshll.u32 s0, $0xA;
	s2 =	sadd.s32 s3, s2  }
0x8d: {  	s2 =	sadd.s32 s2, s17  }
0x8e: {  	[smem:$0x3FC4] =	sst s2  }
0x8f: {  	_ = 	snop  }
0x90: {  	s2 =	sld [smem:$0x3FC8]  }
0x91: {  	s18 =	sld [smem:$0x3FD0];
	(tm) =	ssettm $0x1  }
0x92: {  	s4 =	sld [smem:$0x3FFB];
	_ =	sdelay $0x3  }
0x93: {  	_ =	strace s4  }
0x94: {  	s4 =	sld [smem:$0x3FFC];
	_ =	sdelay $0x3  }
0x95: {  	_ =	strace s4  }
0x96: {  	s4 =	sld [smem:$0x3FFD];
	_ =	sdelay $0x3  }
0x97: {  	_ =	strace s4  }
0x98: {  	_ =	strace $0x8FFFFFFF  }
0x99: {  	s19 =	sld [smem:$0x3FDB];
	_ =	sdelay $0x1  }
0x9a: {  	s5 =	simm.s32 $_scs_section_size  }
0x9b: {  	s6 =	simm.s32 $_size__tile_overlayer_lowered;
	s7 =	simm.s32 $_tile_overlayer_lowered  }
0x9c: {  	s22 =	simm.s32 $0x1BFF;
	s21 =	sshll.u32 s7, $0x1;
	s4 =	sadd.s32 s5, s19  }
0x9d: {  	s8 =	simm.s32 $0x0;
	s20 =	sshll.u32 s6, $0x1;
	s6 =	sadd.s32 s21, s4  }
0x9e: {  	[timem:s8], [sflag:s22] =	dma.local [hbm:s6], s20  }
0x9f: {  	_ =	swait.ge [sflag:s22], s20  }
0xa0: {  	s5 =	ssub.s32 $0x0, s20;
	[sflag:s22] =	ssyncset.done $0x0  }
0xa1: {  	[sflag:s22] =	ssyncadd.s32 s5;
	_ =	sdelay $0x1  }
0xa2: {  	s23 =	simm.s32 $0x1B8B  }
0xa3: {  	_ =	swait.ge [sflag:s23], $0x1  }
0xa4: {  	[sflag:s23] =	ssyncset.done $0x0  }
0xa5: {  	s25 =	simm.s32 $0x1B8E;
	s24 =	sld [smem:$0x3FFE];
	[sflag:s23] =	ssyncadd.s32 $0xFFFFFFFF  }
0xa6: {  	s26 =	simm.s32 $execute0_lowered;
	[smem:$0x3FD2] =	sst s25  }
0xa7: {  	s6 =	sshll.u32 s26, $0x1;
	_ =	strace $0x80000046;
	[dreg:$0x1] =	wrdreg $0xFFFFFFFF  }
0xa8: {  	s28 =	simm.s32 $_size_execute0_lowered;
	s4 =	sadd.s32 s4, s6;
	[dreg:$0x0] =	wrdreg $0x0  }
0xa9: {  	s6 =	sshll.u32 s28, $0x1;
	[dreg:$0x2] =	wrdreg s4  }
0xaa: {  	[dreg:$0x3] =	wrdreg s6  }
0xab: {  	[dreg:$0x4] =	wrdreg $0xC0  }
0xac: {  	_ =	task [dreg:s8], $0x5FFFF  }
0xad: {  	[dreg:$0x1] =	wrdreg $0xFFFFFFFF  }
0xae: {  	[dreg:$0x0] =	wrdreg $0x60  }
0xaf: {  	[dreg:$0x2] =	wrdreg s24  }
0xb0: {  	[dreg:$0x3] =	wrdreg s2  }
0xb1: {  	[dreg:$0x4] =	wrdreg s18  }
0xb2: {  	[dreg:$0x5] =	wrdreg $0xA2000  }
0xb3: {  	[dreg:$0x6] =	wrdreg $0x9  }
0xb4: {  	_ =	task.clear_ibuf [dreg:s8], $0x7FFFF;
	_ =	strace $0x90000046  }
0xb5: {  	s29 =	simm.s32 $0x9;
	_ =	strace $0x80000048  }
0xb6: {  	_ =	swait.ge [sflag:s29], $0x1  }
0xb7: {  	[sflag:s29] =	ssyncadd.s32 $0xFFFFFFFF  }
0xb8: {  	_ =	strace $0x90000048  }
0xb9: {  	_ =	sfence  }
0xba: {  	s30 =	sld [smem:$0x0];
	_ =	sdelay $0x2  }
0xbb: {  	s31 =	sshll.u32 s1, $0xD;
	s1 =	sshrl.u32 s1, $0x2  }
0xbc: {  	s3 =	sand.u32 $0x4000, s31;
	s1 =	sadd.s32 s1, s30  }
0xbd: {  	s0 =	sor.u32 s3, s0;
	s1 =	sshll.u32 s1, $0x11  }
0xbe: {  	s0 =	sor.u32 s1, s0  }
0xbf: {  	s0 =	sadd.s32 $0x8F2B, s0  }
0xc0: {  	[sflag:s0] =	ssyncadd.remote.s32 $0x1  }
0xc1: {  	_ =	sfence.sel $0xFFFF  }
0xc2: {  	[dreg:$0x0] =	wrdreg $0xFFFFFFFF;
	(pc) =	sbr.abs _section_cstart, $3  }
0xc3: {  	[dreg:$0x1] =	wrdreg $0xFFFFFFFF  }
0xc4: {  	_ =	task.clear_ibuf [dreg:s8], $0x2FFFF;
	_ =	strace $0x9FFFFFFF  }
0xc5: {  	(tm) =	ssettm $0x7FFFFFFF  }
tec
execute0_lowered:
.L_overlay_start_1:
0x0: {  	(tag) =	ssettag $0x1  }
0x1: {  	s0 =	rddreg [dreg:$0x0]  }
0x2: {  	s1 =	rddreg [dreg:$0x1]  }
0x3: {  	s2 =	rddreg [dreg:$0x3]  }
0x4: {  	s3 =	simm.s32 $0x0;
	s4 =	srdreg.scid;
	s13 =	stileid.u32  }
0x5: {  	s28 =	simm.s32 $0x100;
	s29 =	simm.s32 $0x5200;
	s30 =	simm.s32 $0x1  }
0x6: {  	s31 =	simm.s32 $0x5;
	[smem:$0x7FF] =	sst s3;
	s5 =	sadd.s32 $0x800, s0  }
0x7: {  	s4 =	sand.u32 $0x1, s4;
	s8 =	sshrl.u32 s13, $0x2;
	s17 =	sshll.u32 s13, $0xF  }
0x8: {  	s18 =	sshll.u32 s13, $0x6;
	_ =	strace $0x80000047;
	s24 =	smul.u32 $0x28000, s4  }
0x9: {  	s6 =	ssub.s32 $0x2, s4;
	s7 =	sshll.u32 s4, $0x2;
	s25 =	smul.u32 $0xA000, s8  }
0xa: {  	s9 =	sshll.u32 s4, $0x10;
	s16 =	sor.u32 $0x1C0D, s18;
	s4 =	smul.u32 $0x28, s4  }
0xb: {  	s10 =	sshrl.u32 s6, $0x1;
	s11 =	sor.u32 s8, s7;
	s0 =	sadd.s32 s9, s0  }
0xc: {  	s9 =	sand.u32 $0x3, s13;
	[dreg:$0x6] =	wrdreg s16;
	s7 =	smul.u32 $0xA, s11  }
0xd: {  	s6 =	ssub.s32 s6, s10;
	s12 =	smul.u32 $0xA000, s11;
	s10 =	sadd.s32 s17, s2  }
0xe: {  	s19 =	smul.u32 $0x50, s11;
	s22 =	sor.u32 $0x4E0, s11;
	s17 =	sadd.s32 s25, s24  }
0xf: {  	p0 =	sgt.u32 s11, $0x1;
	s11 =	simm.s32 $0x4;
	s15 =	smul.u32 $0xA, s22  }
0x10: {  	[dreg:$0x5] =	wrdreg s10;
	s13 =	smul.u32 $0xA000, s22;
	s6 =	smax.u32 s6, $0x1  }
0x11: {  	s7 =	sadd.s32 s1, s7;
	s21 =	sadd.s32 $0x280, s19;
	[dreg:$0xe] =	wrdreg s6  }
0x12: {  	s6 =	simm.s32 $0x2;
	[dreg:$0x7] =	wrdreg s7;
	s7 =	sshll.u32 s9, $0xA  }
0x13: {  	s14 =	sshll.u32 s21, $0x9;
	s26 =	sadd.s32 s1, s15;
	s9 =	sshll.u32 s9, $0xE  }
0x14: {  	s15 =	sshll.u32 s8, $0x7;
	s20 =	sor.u32 s7, s12;
	s23 =	sor.u32 s7, s14  }
0x15: {  	s12 =	sshrl.u32 s21, $0x3;
	[dreg:$0xb] =	wrdreg s26;
	s13 =	sor.u32 s7, s13  }
0x16: {  	s0 =	sadd.s32 s9, s0;
	s9 =	sor.u32 s7, s17;
	s14 =	simm.s32 $0x0  }
0x17: {  	s10 =	sshrl.u32 s20, $0x3;
	s12 =	sadd.s32 s1, s12;
	s18 =	sshrl.u32 s13, $0x3  }
0x18: {  	s0 =	sadd.s32 s15, s0;
	s19 =	sadd.s32 $0xF0000, s9;
	s20 =	smul.u32 $0xA, s8  }
0x19: {  	s21 =	sadd.s32 $0xA0000, s9;
	s1 =	sadd.s32 s4, s1;
	s26 =	sadd.s32 $0x140000, s9  }
0x1a: {  	s13 =	simm.s32 $0xD;
	s4 =	simm.s32 $0x180;
	[dreg:$0x9] =	wrdreg s12  }
0x1b: {  	s8 =	simm.s32 $0x6;
	s10 =	sadd.s32 s5, s10;
	[dreg:$0x12] =	wrdreg s26  }
0x1c: {  	s0 =	sadd.s32 $0x61B000, s0;
	s22 =	sshrl.u32 s21, $0x3;
	[dreg:$0x8] =	wrdreg s10  }
0x1d: {  	s12 =	simm.s32 $0x8;
	s10 =	sshrl.u32 s23, $0x3;
	[dreg:$0xd] =	wrdreg s0  }
0x1e: {  	s0 =	sshrl.u32 s19, $0x3;
	s23 =	sadd.s32 $0x190000, s9;
	s17 =	sadd.s32 s20, s1  }
0x1f: {  	s24 =	sadd.s32 s22, s5;
	s22 =	simm.s32 $0x400;
	s1 =	simm.s32 $0x7A00  }
0x20: {  	s9 =	simm.s32 $0x3;
	s10 =	sadd.s32 s5, s10;
	[dreg:$0x10] =	wrdreg s24  }
0x21: {  	s0 =	sadd.s32 s0, s5;
	s25 =	sshrl.u32 s23, $0x3;
	[dreg:$0xa] =	wrdreg s10  }
0x22: {  	s23 =	simm.s32 $0x1000;
	s10 =	sadd.s32 s5, s18;
	[dreg:$0xf] =	wrdreg s0  }
0x23: {  	s0 =	sadd.s32 s25, s5;
	s18 =	simm.s32 $0x2A00;
	[dreg:$0xc] =	wrdreg s10  }
0x24: {  	v0 =	vmov s7;
	[dreg:$0x11] =	wrdreg s0;
	s0 =	simm.s32 $0x50;
	s10 =	simm.s32 $0x7  }
.LBB2_1:
0x25: {  	[dreg:$0x13] =	wrdreg s14  }
0x26: {  	s7 =	rddreg [dreg:$0x5]  }
0x27: {  	s26 =	rddreg [dreg:$0x2];
	s25 =	sshrl.u32 s7, $0x3  }
0x28: {  	[dreg:$0x14] =	wrdreg s25  }
0x29: {  	[spmem:s25], [sflag:s16] =	dma.local [hbm:s26], $0x1000  }
0x2a: {  	_ =	swait.ge [sflag:s13], $0x1000  }
0x2b: {  	[sflag:s13] =	ssyncset.done $0x0  }
0x2c: {  	[sflag:s13] =	ssyncadd.s32 $0xFFFFF000  }
0x2d: {  	[bflag:$0x0] =	sbarrier.arrive $0xFFFF  }
0x2e: {  	s15 =	rddreg [dreg:$0x7]  }
0x2f: {  	[tilespmem:s3], [sflag:$0x1] =	stream.linear.gather [hbm4b:s15+s3], $0x50, $0x38;
	[tilespmem:$0x12200] =	vst v63  }
0x30: {  	s19 =	simm.s32 $0x200;
	s16 =	rddreg [dreg:$0x8]  }
0x31: {  	[tilespmem:s19], [sflag:$0x5] =	stream.strided.gather [hbm4b:s16+s22], $0x2800, s23, s22, $0x38;
	[tilespmem:$0x12200] =	vst v63  }
0x32: {  	p1 =	por $0x1, $0x1;
	s20 =	rddreg [dreg:$0x9];
	s15 =	simm.s32 $0x80  }
0x33: {  	[tilespmem:s15], [sflag:$0x2] =	stream.linear.gather [hbm4b:s20+s3], $0x50, $0x38;
	[tilespmem:$0x12200] =	vst v63  }
0x34: {  	s7 =	simm.s32 @!p1 $0xB;
	s21 =	rddreg [dreg:$0xa]  }
0x35: {  	[tilespmem:s18], [sflag:$0x6] =	stream.strided.gather [hbm4b:s21+s22], $0x2800, s23, s22, $0x38;
	[tilespmem:$0x12200] =	vst v63  }
0x36: {  	_ =	swait.ge @!p1 [sflag:s7], $0x2800  }
0x37: {  	s24 =	sadd.s32 $0x0, s17;
	[sflag:s7] =	ssyncset.done @!p1 $0x0  }
0x38: {  	s25 =	sadd.s32 $0xA0, s24;
	[sflag:s7] =	ssyncadd.s32 @!p1 $0xFFFFD800  }
0x39: {  	[tilespmem:s28], [sflag:$0x3] =	stream.linear.gather [hbm4b:s25+s3], $0x50, $0x38;
	[tilespmem:$0x12200] =	vst v63  }
0x3a: {  	s21 =	rddreg [dreg:$0x10]  }
0x3b: {  	[tilespmem:s29], [sflag:$0x7] =	stream.strided.gather [hbm4b:s21+s22], $0x2800, s23, s22, $0x38;
	[tilespmem:$0x12200] =	vst v63  }
0x3c: {  	_ =	swait.ge [sflag:s30], $0x50  }
0x3d: {  	[sflag:s30] =	ssyncset.done $0x0  }
0x3e: {  	[sflag:s30] =	ssyncadd.s32 $0xFFFFFFB0  }
0x3f: {  	_ =	swait.ge [sflag:s31], $0x2800  }
0x40: {  	[sflag:s31] =	ssyncset.done $0x0  }
0x41: {  	[sflag:s31] =	ssyncadd.s32 $0xFFFFD800  }
0x42: {  	v1 =	vld [tilespmem:$0x20]  }
0x43: {  	v2 =	vld [tilespmem:$0x10]  }
0x44: {  	v3 =	vld [tilespmem:$0x0]  }
0x45: {  	v4 =	vld [tilespmem:$0x30]  }
0x46: {  	v5 =	vld [tilespmem:$0x40]  }
0x47: {  	v1 =	vadd.s32 v0, v1  }
0x48: {  	v2 =	vadd.s32 v0, v2;
	[tilespmem:$0x20] =	vst v1  }
0x49: {  	v1 =	vadd.s32 v0, v3;
	[tilespmem:$0x10] =	vst v2  }
0x4a: {  	v2 =	vadd.s32 v0, v4;
	[tilespmem:$0x0] =	vst v1  }
0x4b: {  	v1 =	vadd.s32 v0, v5;
	[tilespmem:$0x30] =	vst v2  }
0x4c: {  	s7 =	simm.s32 @!p1 $0xC;
	[tilespmem:$0x40] =	vst v1  }
0x4d: {  	[spmem:s2] =	stream.indirect.scatter.add.f32 [tilespmem:s19], [sflag:$0x9], $0x80, s3, s0, $0xb8;
	[tilespmem:$0x12200] =	vst v63  }
0x4e: {  	_ =	swait.ge @!p1 [sflag:s7], $0x2800  }
0x4f: {  	[sflag:s7] =	ssyncset.done @!p1 $0x0  }
0x50: {  	s26 =	sadd.s32 $0xF0, s24;
	[sflag:s7] =	ssyncadd.s32 @!p1 $0xFFFFD800  }
0x51: {  	[tilespmem:s4], [sflag:$0x4] =	stream.linear.gather [hbm4b:s26+s3], $0x50, $0x38;
	[tilespmem:$0x12200] =	vst v63  }
0x52: {  	s19 =	rddreg [dreg:$0xf]  }
0x53: {  	[tilespmem:s1], [sflag:$0x8] =	stream.strided.gather [hbm4b:s19+s22], $0x2800, s23, s22, $0x38;
	[tilespmem:$0x12200] =	vst v63  }
0x54: {  	_ =	swait.ge [sflag:s6], $0x50  }
0x55: {  	[sflag:s6] =	ssyncset.done $0x0  }
0x56: {  	[sflag:s6] =	ssyncadd.s32 $0xFFFFFFB0  }
0x57: {  	_ =	swait.ge [sflag:s8], $0x2800  }
0x58: {  	[sflag:s8] =	ssyncset.done $0x0  }
0x59: {  	[sflag:s8] =	ssyncadd.s32 $0xFFFFD800  }
0x5a: {  	v1 =	vld [tilespmem:$0x80]  }
0x5b: {  	v2 =	vld [tilespmem:$0xC0]  }
0x5c: {  	v3 =	vld [tilespmem:$0xA0]  }
0x5d: {  	v62 =	vld [tilespmem:$0x90]  }
0x5e: {  	v63 =	vld [tilespmem:$0xB0]  }
0x5f: {  	v1 =	vadd.s32 v0, v1  }
0x60: {  	[tilespmem:$0x80] =	vst v1;
	v1 =	vadd.s32 v0, v2  }
0x61: {  	v2 =	vadd.s32 v0, v3;
	[tilespmem:$0xC0] =	vst v1  }
0x62: {  	v1 =	vadd.s32 v0, v62;
	[tilespmem:$0xA0] =	vst v2  }
0x63: {  	p2 =	por $0x0, $0x0;
	[tilespmem:$0x90] =	vst v1;
	v1 =	vadd.s32 v0, v63  }
0x64: {  	s7 =	simm.s32 @!p2 $0x9;
	[tilespmem:$0xB0] =	vst v1  }
0x65: {  	[spmem:s2] =	stream.indirect.scatter.add.f32 [tilespmem:s18], [sflag:$0xA], $0x80, s15, s0, $0xb8;
	[tilespmem:$0x12200] =	vst v63  }
0x66: {  	s24 =	simm.s32 @!p2 $0x1000;
	s13 =	sadd.s32 @!p2 $0x0, s17;
	_ =	swait.ge @!p2 [sflag:s7], $0x2800  }
0x67: {  	s16 =	sadd.s32 @!p2 $0x140, s13;
	s20 =	rddreg [dreg:$0x12];
	[sflag:s7] =	ssyncset.done @!p2 $0x0  }
0x68: {  	s15 =	simm.s32 @!p2 $0x0;
	s14 =	sshrl.u32 @!p2 s20, $0x3;
	[sflag:s7] =	ssyncadd.s32 @!p2 $0xFFFFD800  }
0x69: {  	[tilespmem:s15], [sflag:$0x1] =	stream.linear.gather @!p2 [hbm4b:s16+s15], $0x50, $0x38;
	[tilespmem:$0x12200] =	vst v63  }
0x6a: {  	s7 =	simm.s32 @!p2 $0x200;
	s18 =	sadd.s32 @!p2 s5, s14;
	s14 =	simm.s32 @!p2 $0x400  }
0x6b: {  	[tilespmem:s7], [sflag:$0x5] =	stream.strided.gather @!p2 [hbm4b:s18+s14], $0x2800, s24, s14, $0x38;
	[tilespmem:$0x12200] =	vst v63  }
0x6c: {  	_ =	swait.ge [sflag:s9], $0x50  }
0x6d: {  	[sflag:s9] =	ssyncset.done $0x0  }
0x6e: {  	[sflag:s9] =	ssyncadd.s32 $0xFFFFFFB0  }
0x6f: {  	s25 =	sadd.s32 @!p2 $0x190, s13;
	_ =	swait.ge [sflag:s10], $0x2800  }
0x70: {  	s13 =	smov.u32 s21;
	s20 =	sadd.s32 $0x140000, s20;
	[sflag:s10] =	ssyncset.done $0x0  }
0x71: {  	s7 =	simm.s32 $0x140;
	s26 =	rddreg [dreg:$0x11];
	[sflag:s10] =	ssyncadd.s32 $0xFFFFD800  }
0x72: {  	s18 =	smov.u32 s19;
	s16 =	sadd.s32 $0x28000, s26;
	s19 =	smov.u32 s26;
	v1 =	vld [tilespmem:$0x100]  }
.LBB2_2:
0x73: {  	s18 =	sadd.s32 $0x28000, s18  }
0x74: {  	v2 =	vld [tilespmem:$0x110];
	s13 =	sadd.s32 $0x28000, s13;
	s21 =	smov.u32 s7;
	s7 =	sadd.s32 $0x140, s7  }
0x75: {  	p1 =	sne.s32 s7, $0x30C0;
	v3 =	vld [tilespmem:$0x120]  }
0x76: {  	v4 =	vld [tilespmem:$0x130]  }
0x77: {  	v5 =	vld [tilespmem:$0x140]  }
0x78: {  	v1 =	vadd.s32 v0, v1  }
0x79: {  	[tilespmem:$0x100] =	vst v1;
	v1 =	vadd.s32 v0, v2  }
0x7a: {  	[tilespmem:$0x110] =	vst v1;
	v1 =	vadd.s32 v0, v3  }
0x7b: {  	[tilespmem:$0x120] =	vst v1;
	v1 =	vadd.s32 v0, v4  }
0x7c: {  	[tilespmem:$0x130] =	vst v1;
	v1 =	vadd.s32 v0, v5  }
0x7d: {  	s26 =	simm.s32 @!p2 $0xA;
	[tilespmem:$0x140] =	vst v1  }
0x7e: {  	[spmem:s2] =	stream.indirect.scatter.add.f32 [tilespmem:s29], [sflag:$0xB], $0x80, s28, s0, $0xb8;
	[tilespmem:$0x12200] =	vst v63  }
0x7f: {  	_ =	swait.ge @!p2 [sflag:s26], $0x2800  }
0x80: {  	[sflag:s26] =	ssyncset.done @!p2 $0x0  }
0x81: {  	[sflag:s26] =	ssyncadd.s32 @!p2 $0xFFFFD800;
	s26 =	simm.s32 @!p2 $0x80  }
0x82: {  	[tilespmem:s26], [sflag:$0x2] =	stream.linear.gather @!p2 [hbm4b:s25+s15], $0x50, $0x38;
	[tilespmem:$0x12200] =	vst v63  }
0x83: {  	s15 =	simm.s32 @!p2 $0x2A00  }
0x84: {  	[tilespmem:s15], [sflag:$0x6] =	stream.strided.gather @!p2 [hbm4b:s19+s14], $0x2800, s24, s14, $0x38;
	[tilespmem:$0x12200] =	vst v63  }
0x85: {  	s19 =	smov.u32 s16;
	_ =	swait.ge [sflag:s11], $0x50  }
0x86: {  	[sflag:s11] =	ssyncset.done $0x0  }
0x87: {  	[sflag:s11] =	ssyncadd.s32 $0xFFFFFFB0  }
0x88: {  	_ =	swait.ge [sflag:s12], $0x2800  }
0x89: {  	[sflag:s12] =	ssyncset.done $0x0  }
0x8a: {  	[sflag:s12] =	ssyncadd.s32 $0xFFFFD800  }
0x8b: {  	v1 =	vld [tilespmem:$0x180]  }
0x8c: {  	v2 =	vld [tilespmem:$0x190]  }
0x8d: {  	v3 =	vld [tilespmem:$0x1B0]  }
0x8e: {  	v4 =	vld [tilespmem:$0x1C0]  }
0x8f: {  	v5 =	vld [tilespmem:$0x1A0]  }
0x90: {  	v1 =	vadd.s32 v0, v1  }
0x91: {  	[tilespmem:$0x180] =	vst v1;
	v1 =	vadd.s32 v0, v2  }
0x92: {  	[tilespmem:$0x190] =	vst v1;
	v1 =	vadd.s32 v0, v3  }
0x93: {  	[tilespmem:$0x1B0] =	vst v1;
	v1 =	vadd.s32 v0, v4  }
0x94: {  	p2 =	seq.s32 s21, $0x0;
	v2 =	vadd.s32 v0, v5;
	[tilespmem:$0x1C0] =	vst v1  }
0x95: {  	s14 =	simm.s32 @!p2 $0xB;
	[tilespmem:$0x1A0] =	vst v2  }
0x96: {  	[spmem:s2] =	stream.indirect.scatter.add.f32 [tilespmem:s1], [sflag:$0xC], $0x80, s4, s0, $0xb8;
	[tilespmem:$0x12200] =	vst v63  }
0x97: {  	_ =	swait.ge @!p2 [sflag:s14], $0x2800  }
0x98: {  	s15 =	sadd.s32 s21, s17;
	[sflag:s14] =	ssyncset.done @!p2 $0x0  }
0x99: {  	[sflag:s14] =	ssyncadd.s32 @!p2 $0xFFFFD800;
	s14 =	sadd.s32 $0xA0, s15  }
0x9a: {  	[tilespmem:s28], [sflag:$0x3] =	stream.linear.gather [hbm4b:s14+s3], $0x50, $0x38;
	[tilespmem:$0x12200] =	vst v63  }
0x9b: {  	_ = 	snop  }
0x9c: {  	[tilespmem:s29], [sflag:$0x7] =	stream.strided.gather [hbm4b:s13+s22], $0x2800, s23, s22, $0x38;
	[tilespmem:$0x12200] =	vst v63  }
0x9d: {  	_ =	swait.ge [sflag:s30], $0x50  }
0x9e: {  	[sflag:s30] =	ssyncset.done $0x0  }
0x9f: {  	[sflag:s30] =	ssyncadd.s32 $0xFFFFFFB0  }
0xa0: {  	_ =	swait.ge [sflag:s31], $0x2800  }
0xa1: {  	[sflag:s31] =	ssyncset.done $0x0  }
0xa2: {  	[sflag:s31] =	ssyncadd.s32 $0xFFFFD800  }
0xa3: {  	v1 =	vld [tilespmem:$0x30]  }
0xa4: {  	v2 =	vld [tilespmem:$0x20]  }
0xa5: {  	v3 =	vld [tilespmem:$0x10]  }
0xa6: {  	v4 =	vld [tilespmem:$0x0]  }
0xa7: {  	v5 =	vld [tilespmem:$0x40];
	_ =	sdelay $0x1  }
0xa8: {  	v2 =	vadd.s32 v0, v2  }
0xa9: {  	v3 =	vadd.s32 v0, v3;
	[tilespmem:$0x20] =	vst v2  }
0xaa: {  	v1 =	vadd.s32 v0, v1;
	v2 =	vadd.s32 v0, v4;
	[tilespmem:$0x10] =	vst v3  }
0xab: {  	[tilespmem:$0x0] =	vst v2;
	v2 =	vadd.s32 v0, v5  }
0xac: {  	[tilespmem:$0x30] =	vst v1  }
0xad: {  	s24 =	simm.s32 $0x200;
	s14 =	simm.s32 @!p2 $0xC;
	[tilespmem:$0x40] =	vst v2  }
0xae: {  	[spmem:s2] =	stream.indirect.scatter.add.f32 [tilespmem:s24], [sflag:$0x9], $0x80, s3, s0, $0xb8;
	[tilespmem:$0x12200] =	vst v63  }
0xaf: {  	_ =	swait.ge @!p2 [sflag:s14], $0x2800  }
0xb0: {  	[sflag:s14] =	ssyncset.done @!p2 $0x0  }
0xb1: {  	[sflag:s14] =	ssyncadd.s32 @!p2 $0xFFFFD800;
	s14 =	sadd.s32 $0xF0, s15  }
0xb2: {  	[tilespmem:s4], [sflag:$0x4] =	stream.linear.gather [hbm4b:s14+s3], $0x50, $0x38;
	[tilespmem:$0x12200] =	vst v63  }
0xb3: {  	_ = 	snop  }
0xb4: {  	[tilespmem:s1], [sflag:$0x8] =	stream.strided.gather [hbm4b:s18+s22], $0x2800, s23, s22, $0x38;
	[tilespmem:$0x12200] =	vst v63  }
0xb5: {  	_ =	swait.ge [sflag:s6], $0x50  }
0xb6: {  	[sflag:s6] =	ssyncset.done $0x0  }
0xb7: {  	[sflag:s6] =	ssyncadd.s32 $0xFFFFFFB0  }
0xb8: {  	_ =	swait.ge [sflag:s8], $0x2800  }
0xb9: {  	[sflag:s8] =	ssyncset.done $0x0  }
0xba: {  	[sflag:s8] =	ssyncadd.s32 $0xFFFFD800  }
0xbb: {  	v1 =	vld [tilespmem:$0x80]  }
0xbc: {  	v2 =	vld [tilespmem:$0xC0]  }
0xbd: {  	v3 =	vld [tilespmem:$0xA0]  }
0xbe: {  	v4 =	vld [tilespmem:$0x90]  }
0xbf: {  	v5 =	vld [tilespmem:$0xB0]  }
0xc0: {  	v1 =	vadd.s32 v0, v1  }
0xc1: {  	[tilespmem:$0x80] =	vst v1;
	v1 =	vadd.s32 v0, v2  }
0xc2: {  	v2 =	vadd.s32 v0, v3;
	[tilespmem:$0xC0] =	vst v1  }
0xc3: {  	v1 =	vadd.s32 v0, v4;
	[tilespmem:$0xA0] =	vst v2  }
0xc4: {  	[tilespmem:$0x90] =	vst v1;
	v1 =	vadd.s32 v0, v5  }
0xc5: {  	p2 =	seq.s32 s21, $0x2F80;
	s15 =	simm.s32 $0x2A00;
	s14 =	simm.s32 $0x80;
	[tilespmem:$0xB0] =	vst v1  }
0xc6: {  	[spmem:s2] =	stream.indirect.scatter.add.f32 [tilespmem:s15], [sflag:$0xA], $0x80, s14, s0, $0xb8;
	[tilespmem:$0x12200] =	vst v63  }
0xc7: {  	s14 =	simm.s32 @!p2 $0x9;
	s15 =	sadd.s32 @!p2 s21, s17;
	s21 =	sshrl.u32 @!p2 s20, $0x3  }
0xc8: {  	s24 =	sadd.s32 @!p2 $0x140, s15;
	s21 =	sadd.s32 @!p2 s5, s21;
	_ =	swait.ge @!p2 [sflag:s14], $0x2800  }
0xc9: {  	s25 =	sadd.s32 @!p2 $0x190, s15;
	[sflag:s14] =	ssyncset.done @!p2 $0x0  }
0xca: {  	s15 =	simm.s32 @!p2 $0x0;
	[sflag:s14] =	ssyncadd.s32 @!p2 $0xFFFFD800  }
0xcb: {  	[tilespmem:s15], [sflag:$0x1] =	stream.linear.gather @!p2 [hbm4b:s24+s15], $0x50, $0x38;
	[tilespmem:$0x12200] =	vst v63  }
0xcc: {  	s26 =	simm.s32 @!p2 $0x200;
	s14 =	simm.s32 @!p2 $0x400;
	s24 =	simm.s32 @!p2 $0x1000  }
0xcd: {  	[tilespmem:s26], [sflag:$0x5] =	stream.strided.gather @!p2 [hbm4b:s21+s14], $0x2800, s24, s14, $0x38;
	[tilespmem:$0x12200] =	vst v63  }
0xce: {  	_ =	swait.ge [sflag:s9], $0x50  }
0xcf: {  	[sflag:s9] =	ssyncset.done $0x0  }
.Ltmp0:
0xd0: {  	[sflag:s9] =	ssyncadd.s32 $0xFFFFFFB0;
	(pc) =	sbr.rel @p1 .LBB2_2-.Ltmp0, $4  }
0xd1: {  	_ =	swait.ge [sflag:s10], $0x2800  }
0xd2: {  	[sflag:s10] =	ssyncset.done $0x0  }
0xd3: {  	[sflag:s10] =	ssyncadd.s32 $0xFFFFD800  }
0xd4: {  	s16 =	sadd.s32 $0x28000, s16;
	s20 =	sadd.s32 $0x140000, s20;
	v1 =	vld [tilespmem:$0x100]  }
0xd5: {  	v2 =	vld [tilespmem:$0x110]  }
0xd6: {  	v3 =	vld [tilespmem:$0x120]  }
0xd7: {  	v4 =	vld [tilespmem:$0x130]  }
0xd8: {  	v5 =	vld [tilespmem:$0x140]  }
0xd9: {  	v1 =	vadd.s32 v0, v1  }
0xda: {  	[tilespmem:$0x100] =	vst v1;
	v1 =	vadd.s32 v0, v2  }
0xdb: {  	[tilespmem:$0x110] =	vst v1;
	v1 =	vadd.s32 v0, v3  }
0xdc: {  	[tilespmem:$0x120] =	vst v1;
	v1 =	vadd.s32 v0, v4  }
0xdd: {  	[tilespmem:$0x130] =	vst v1;
	v1 =	vadd.s32 v0, v5  }
0xde: {  	s7 =	simm.s32 @!p2 $0xA;
	[tilespmem:$0x140] =	vst v1  }
0xdf: {  	[spmem:s2] =	stream.indirect.scatter.add.f32 [tilespmem:s29], [sflag:$0xB], $0x80, s28, s0, $0xb8;
	[tilespmem:$0x12200] =	vst v63  }
0xe0: {  	_ =	swait.ge @!p2 [sflag:s7], $0x2800  }
0xe1: {  	[sflag:s7] =	ssyncset.done @!p2 $0x0  }
0xe2: {  	[sflag:s7] =	ssyncadd.s32 @!p2 $0xFFFFD800;
	s7 =	simm.s32 @!p2 $0x80  }
0xe3: {  	[tilespmem:s7], [sflag:$0x2] =	stream.linear.gather @!p2 [hbm4b:s25+s15], $0x50, $0x38;
	[tilespmem:$0x12200] =	vst v63  }
0xe4: {  	s7 =	simm.s32 @!p2 $0x2A00  }
0xe5: {  	[tilespmem:s7], [sflag:$0x6] =	stream.strided.gather @!p2 [hbm4b:s19+s14], $0x2800, s24, s14, $0x38;
	[tilespmem:$0x12200] =	vst v63  }
0xe6: {  	_ =	swait.ge [sflag:s11], $0x50  }
0xe7: {  	[sflag:s11] =	ssyncset.done $0x0  }
0xe8: {  	[sflag:s11] =	ssyncadd.s32 $0xFFFFFFB0  }
0xe9: {  	_ =	swait.ge [sflag:s12], $0x2800  }
0xea: {  	[sflag:s12] =	ssyncset.done $0x0  }
0xeb: {  	[sflag:s12] =	ssyncadd.s32 $0xFFFFD800  }
0xec: {  	v1 =	vld [tilespmem:$0x180]  }
0xed: {  	v2 =	vld [tilespmem:$0x190]  }
0xee: {  	v63 =	vld [tilespmem:$0x1A0]  }
0xef: {  	v3 =	vld [tilespmem:$0x1B0]  }
0xf0: {  	v62 =	vld [tilespmem:$0x1C0]  }
0xf1: {  	v1 =	vadd.s32 v0, v1  }
0xf2: {  	[tilespmem:$0x180] =	vst v1;
	v1 =	vadd.s32 v0, v2  }
0xf3: {  	v2 =	vadd.s32 v0, v63;
	[tilespmem:$0x190] =	vst v1  }
0xf4: {  	v1 =	vadd.s32 v0, v3;
	[tilespmem:$0x1A0] =	vst v2  }
0xf5: {  	[tilespmem:$0x1B0] =	vst v1;
	v1 =	vadd.s32 v0, v62  }
0xf6: {  	s14 =	simm.s32 $0x9;
	[tilespmem:$0x1C0] =	vst v1  }
0xf7: {  	[spmem:s2] =	stream.indirect.scatter.add.f32 [tilespmem:s1], [sflag:$0xC], $0x80, s4, s0, $0xb8;
	[tilespmem:$0x12200] =	vst v63  }
0xf8: {  	_ =	swait.ge [sflag:s14], $0x2800  }
0xf9: {  	[sflag:s14] =	ssyncset.done $0x0  }
0xfa: {  	s15 =	simm.s32 $0xA;
	[sflag:s14] =	ssyncadd.s32 $0xFFFFD800  }
0xfb: {  	_ =	swait.ge [sflag:s15], $0x2800  }
0xfc: {  	[sflag:s15] =	ssyncset.done $0x0  }
0xfd: {  	s16 =	simm.s32 $0xB;
	[sflag:s15] =	ssyncadd.s32 $0xFFFFD800  }
0xfe: {  	_ =	swait.ge [sflag:s16], $0x2800  }
0xff: {  	[sflag:s16] =	ssyncset.done $0x0  }
0x100: {  	s18 =	simm.s32 $0xC;
	[sflag:s16] =	ssyncadd.s32 $0xFFFFD800  }
0x101: {  	_ =	swait.ge [sflag:s18], $0x2800  }
0x102: {  	[sflag:s18] =	ssyncset.done $0x0  }
0x103: {  	s7 =	simm.s32 @!p0 $0x0;
	s13 =	rddreg [dreg:$0xb];
	[sflag:s18] =	ssyncadd.s32 $0xFFFFD800  }
0x104: {  	[tilespmem:s7], [sflag:$0xD] =	stream.linear.gather @!p0 [hbm4b:s13+s7], $0x50, $0x38;
	[tilespmem:$0x12200] =	vst v63  }
0x105: {  	s13 =	simm.s32 @!p0 $0xD  }
0x106: {  	_ =	swait.ge @!p0 [sflag:s13], $0x50  }
0x107: {  	s14 =	simm.s32 @!p0 $0x400;
	s15 =	simm.s32 @!p0 $0x1000;
	[sflag:s13] =	ssyncset.done @!p0 $0x0  }
0x108: {  	s16 =	simm.s32 @!p0 $0x200;
	s18 =	rddreg [dreg:$0xc];
	[sflag:s13] =	ssyncadd.s32 @!p0 $0xFFFFFFB0  }
0x109: {  	[tilespmem:s16], [sflag:$0xD] =	stream.strided.gather @!p0 [hbm4b:s18+s14], $0x2800, s15, s14, $0x38;
	[tilespmem:$0x12200] =	vst v63  }
0x10a: {  	_ =	swait.ge @!p0 [sflag:s13], $0x2800  }
0x10b: {  	[sflag:s13] =	ssyncset.done @!p0 $0x0  }
0x10c: {  	[sflag:s13] =	ssyncadd.s32 @!p0 $0xFFFFD800  }
0x10d: {  	v1 =	vld @!p0 [tilespmem:$0x0]  }
0x10e: {  	v2 =	vld @!p0 [tilespmem:$0x10]  }
0x10f: {  	v3 =	vld @!p0 [tilespmem:$0x20]  }
0x110: {  	v4 =	vld @!p0 [tilespmem:$0x30]  }
0x111: {  	v5 =	vld @!p0 [tilespmem:$0x40]  }
0x112: {  	v1 =	vadd.s32 @!p0 v0, v1  }
0x113: {  	[tilespmem:$0x0] =	vst @!p0 v1;
	v1 =	vadd.s32 @!p0 v0, v2  }
0x114: {  	[tilespmem:$0x10] =	vst @!p0 v1;
	v1 =	vadd.s32 @!p0 v0, v3  }
0x115: {  	[tilespmem:$0x20] =	vst @!p0 v1;
	v1 =	vadd.s32 @!p0 v0, v4  }
0x116: {  	[tilespmem:$0x30] =	vst @!p0 v1;
	v1 =	vadd.s32 @!p0 v0, v5  }
0x117: {  	s13 =	simm.s32 @!p0 $0x50;
	[tilespmem:$0x40] =	vst @!p0 v1  }
0x118: {  	[spmem:s2] =	stream.indirect.scatter.add.f32 @!p0 [tilespmem:s16], [sflag:$0x9], $0x80, s7, s13, $0xb8;
	[tilespmem:$0x12200] =	vst v63  }
0x119: {  	s7 =	simm.s32 @!p0 $0x9  }
0x11a: {  	_ =	swait.ge @!p0 [sflag:s7], $0x2800  }
0x11b: {  	[sflag:s7] =	ssyncset.done @!p0 $0x0  }
0x11c: {  	[sflag:s7] =	ssyncadd.s32 @!p0 $0xFFFFD800  }
0x11d: {  	[bflag:$0x0] =	sbarrier.arrive $0xFFFF  }
0x11e: {  	s16 =	rddreg [dreg:$0x6]  }
0x11f: {  	s20 =	simm.s32 $0x200;
	s19 =	rddreg [dreg:$0xd]  }
0x120: {  	s21 =	simm.s32 $0x80;
	s13 =	simm.s32 $0xD;
	s24 =	rddreg [dreg:$0x14]  }
0x121: {  	[hbm:s19@s20], [sflag:s16] =	dma.strided [spmem:s24@s21], $0x1000, s12, $0x10   }
0x122: {  	_ =	swait.ge [sflag:s13], $0x1000  }
0x123: {  	s25 =	rddreg [dreg:$0x13]  }
0x124: {  	s26 =	rddreg [dreg:$0xe];
	s14 =	sadd.s32 $0x1, s25  }
0x125: {  	p1 =	sne.s32 s14, s26  }
.Ltmp1:
0x126: {  	_ = 	snop;
	(pc) =	sbr.rel @p1 .LBB2_1-.Ltmp1, $3  }
0x127: {  	_ =	sdelay $0x1  }
0x128: {  	[sflag:s13] =	ssyncset.done $0x0  }
0x129: {  	s18 =	simm.s32 $0x2A00;
	[sflag:s13] =	ssyncadd.s32 $0xFFFFF000  }
0x12a: {  	_ =	sfence.sel $0x180000  }
0x12b: {  	[bflag:$0x0] =	sbarrier.arrive $0xFFFF  }
0x12c: {  	_ =	strace $0x90000047  }
0x12d: {  	s0 =	stileid.u32;
	[bflag:$0x2] =	sbarrier.arrive $0xFFFF  }
0x12e: {  	p0 =	sne.s32 s0, $0x0;
	s0 =	rddreg [dreg:$0x4]  }
0x12f: {  	s0 =	sadd.s32 @!p0 $0x100000, s0  }
0x130: {  	[sflag:s0] =	ssyncadd.tile.s32 @!p0 $0x1;
	_ =	shalt  }
.Lfunc_end2:
_tile_overlayer_lowered:
.L_overlay_start_2:
0x131: {  	(tag) =	ssettag $0x2  }
0x132: {  	s0 =	rddreg [dreg:$0x0];
	s2 =	stileid.u32  }
0x133: {  	s1 =	rddreg [dreg:$0x1];
	p0 =	sne.s32 s2, $0x0  }
0x134: {  	s3 =	rddreg [dreg:$0x2];
	[bflag:$0x3] =	sbarrier.arrive $0xFFFF;
	s2 =	simm.s32 @!p0 $0x1C0D  }
0x135: {  	[timem:s3], [sflag:s2] =	dma.local @!p0 [hbm:s0], s1  }
0x136: {  	s0 =	simm.s32 @!p0 $0xD  }
0x137: {  	_ =	swait.ge @!p0 [sflag:s0], s1  }
0x138: {  	s1 =	ssub.s32 @!p0 $0x0, s1;
	[sflag:s0] =	ssyncset.done @!p0 $0x0  }
0x139: {  	[sflag:s0] =	ssyncadd.s32 @!p0 s1  }
0x13a: {  	[bflag:$0x3] =	sbarrier.arrive $0xFFFF  }
0x13b: {  	_ =	shalt  }

</sc_bundles>
